<compile_context>
chip_gen: v7x
topology: tpu7x:2x2x1
jax: 0.10.2.dev20260603
libtpu: 0.0.44.dev20260713+nightly
codegen_flags: <defaults>
</compile_context>

<pallas_src>
import functools

import jax
import jax.numpy as jnp
from jax import lax
from jax.experimental import pallas as pl
from jax.experimental.pallas import tpu as pltpu
from jax.experimental.pallas import tpu_sc as plsc

IN_CHANNELS = 256
HIDDEN_DIM = 128
NUM_EXPERTS = 4
B = 32
H = 64
W = 64
TC_B = 30
SC_B = B - TC_B
WPS = 16
QUART = H // WPS
CHUNK = 2
NCHUNK = QUART // CHUNK
BB = 2

NC = 2
NS = 16
LANES = 16


def _mlp_rows(pooled, w1, b1, w2, b2):
    h = jnp.dot(pooled, w1, preferred_element_type=jnp.float32) + b1
    h = 0.5 * h * (1.0 + lax.erf(h * 0.7071067811865476))
    logits = jnp.dot(h, w2, preferred_element_type=jnp.float32) + b2
    m = jnp.max(logits, axis=-1, keepdims=True)
    e = jnp.exp(logits - m)
    return e / jnp.sum(e, axis=-1, keepdims=True)


def _tc_main_kernel(x_ref, w1_ref, b1_ref, w2_ref, b2_ref, out_ref):
    g = pl.program_id(0)
    hw = x_ref.shape[1] * x_ref.shape[2]
    rows = []
    for i in range(BB):
        x = x_ref[i]
        part = jnp.sum(x, axis=0)
        rows.append(jnp.sum(part, axis=0))
    pooled = jnp.stack(rows, axis=0) * (1.0 / hw)
    out_ref[pl.ds(g * BB, BB), :] = _mlp_rows(
        pooled, w1_ref[...], b1_ref[...], w2_ref[...], b2_ref[...])


def _tc_tail_kernel(p_ref, w1_ref, b1_ref, w2_ref, b2_ref, out_ref):
    p = p_ref[...]
    pooled = jnp.sum(p, axis=0) * (1.0 / (H * W))
    out_ref[...] = _mlp_rows(
        pooled, w1_ref[...], b1_ref[...], w2_ref[...], b2_ref[...])


def _sc_pool_kernel(x_hbm, out_hbm, buf, acc, sem0, sem1):
    c = lax.axis_index("c")
    s = lax.axis_index("s")
    wid = s * NC + c
    sample = TC_B + wid // WPS
    q = wid % WPS
    h0 = q * QUART

    zeros = jnp.zeros((LANES,), jnp.float32)

    def zbody(j, _):
        for k in range(IN_CHANNELS // LANES):
            acc[j, pl.ds(k * LANES, LANES)] = zeros
        return 0

    lax.fori_loop(0, W, zbody, 0)

    sems = (sem0, sem1)
    copies = [None, None]
    copies[0] = pltpu.async_copy(
        x_hbm.at[sample, pl.ds(h0, CHUNK)], buf.at[0], sems[0])
    for t in range(NCHUNK):
        cur = t % 2
        nxt = (t + 1) % 2
        copies[cur].wait()
        if t + 1 < NCHUNK:
            copies[nxt] = pltpu.async_copy(
                x_hbm.at[sample, pl.ds(h0 + (t + 1) * CHUNK, CHUNK)],
                buf.at[nxt], sems[nxt])

        def abody(j, _, cur=cur):
            for h in range(CHUNK):
                for k in range(IN_CHANNELS // LANES):
                    sl = pl.ds(k * LANES, LANES)
                    plsc.addupdate(acc.at[j, sl], buf[cur, h, j, sl])
            return 0

        lax.fori_loop(0, W, abody, 0)

    def rbody(j, _):
        for k in range(IN_CHANNELS // LANES):
            sl = pl.ds(k * LANES, LANES)
            plsc.addupdate(acc.at[0, sl], acc[j, sl])
        return 0

    lax.fori_loop(1, W, rbody, 0)

    pltpu.sync_copy(acc.at[0], out_hbm.at[q, sample - TC_B])


@jax.jit
def kernel(img_emb, W1, b1, W2, b2):
    x = img_emb.transpose(0, 2, 3, 1)
    b1r = b1.reshape(1, HIDDEN_DIM)
    b2r = b2.reshape(1, NUM_EXPERTS)

    sc_partials = pl.kernel(
        _sc_pool_kernel,
        out_type=jax.ShapeDtypeStruct((WPS, SC_B, IN_CHANNELS), jnp.float32),
        mesh=plsc.VectorSubcoreMesh(core_axis_name="c", subcore_axis_name="s"),
        scratch_types=[
            pltpu.VMEM((2, CHUNK, W, IN_CHANNELS), jnp.float32),
            pltpu.VMEM((W, IN_CHANNELS), jnp.float32),
            pltpu.SemaphoreType.DMA,
            pltpu.SemaphoreType.DMA,
        ],
    )(x)

    out_main = pl.pallas_call(
        _tc_main_kernel,
        grid=(TC_B // BB,),
        in_specs=[
            pl.BlockSpec((BB, H, W, IN_CHANNELS), lambda g: (g, 0, 0, 0)),
            pl.BlockSpec((IN_CHANNELS, HIDDEN_DIM), lambda g: (0, 0)),
            pl.BlockSpec((1, HIDDEN_DIM), lambda g: (0, 0)),
            pl.BlockSpec((HIDDEN_DIM, NUM_EXPERTS), lambda g: (0, 0)),
            pl.BlockSpec((1, NUM_EXPERTS), lambda g: (0, 0)),
        ],
        out_specs=pl.BlockSpec((TC_B, NUM_EXPERTS), lambda g: (0, 0)),
        out_shape=jax.ShapeDtypeStruct((TC_B, NUM_EXPERTS), jnp.float32),
    )(x, W1, b1r, W2, b2r)

    out_tail = pl.pallas_call(
        _tc_tail_kernel,
        in_specs=[
            pl.BlockSpec((WPS, SC_B, IN_CHANNELS), lambda: (0, 0, 0)),
            pl.BlockSpec((IN_CHANNELS, HIDDEN_DIM), lambda: (0, 0)),
            pl.BlockSpec((1, HIDDEN_DIM), lambda: (0, 0)),
            pl.BlockSpec((HIDDEN_DIM, NUM_EXPERTS), lambda: (0, 0)),
            pl.BlockSpec((1, NUM_EXPERTS), lambda: (0, 0)),
        ],
        out_specs=pl.BlockSpec((SC_B, NUM_EXPERTS), lambda: (0, 0)),
        out_shape=jax.ShapeDtypeStruct((SC_B, NUM_EXPERTS), jnp.float32),
    )(sc_partials, W1, b1r, W2, b2r)

    return jnp.concatenate([out_main, out_tail], axis=0)

# --- scband reference (transcript-rebuilt; emitter-appended) ---
"""Pipeline reference for scband-component3-routing-gate-17437567222015 (READ-ONLY COPY).

The authoritative reference and input builder live on the scoring server;
editing this copy changes nothing except your own understanding.
"""

import jax, jax.numpy as jnp
import numpy as np

IN_CHANNELS = 256
HIDDEN_DIM = 128
NUM_EXPERTS = 4
TEMPERATURE = 1.0


def setup_inputs(seed: int = 0) -> dict:
    key = jax.random.key(seed)
    k_img, k_w1, k_b1, k_w2, k_b2 = jax.random.split(key, 5)
    B = 32
    img_emb = jax.random.normal(k_img, (B, IN_CHANNELS, 64, 64), dtype=jnp.float32)
    # gate = Linear(256,128) -> GELU -> Dropout (eval no-op) -> Linear(128,4)
    bound1 = 1.0 / np.sqrt(IN_CHANNELS)
    W1 = jax.random.uniform(k_w1, (IN_CHANNELS, HIDDEN_DIM), minval=-bound1, maxval=bound1, dtype=jnp.float32)
    b1 = jax.random.uniform(k_b1, (HIDDEN_DIM,), minval=-bound1, maxval=bound1, dtype=jnp.float32)
    bound2 = 1.0 / np.sqrt(HIDDEN_DIM)
    W2 = jax.random.uniform(k_w2, (HIDDEN_DIM, NUM_EXPERTS), minval=-bound2, maxval=bound2, dtype=jnp.float32)
    b2 = jax.random.uniform(k_b2, (NUM_EXPERTS,), minval=-bound2, maxval=bound2, dtype=jnp.float32)
    return {"img_emb": img_emb, "W1": W1, "b1": b1, "W2": W2, "b2": b2}


def reference(img_emb, W1, b1, W2, b2):
    # AdaptiveAvgPool2d(1) -> global average pool over H, W, then flatten
    pooled = jnp.mean(img_emb, axis=(2, 3))  # [B, C]
    # gate MLP (dropout is identity in eval)
    h = jax.nn.gelu(pooled @ W1 + b1, approximate=False)
    logits = h @ W2 + b2
    # dense mode: top_k is None, so softmax weights are returned directly
    weights = jax.nn.softmax(logits / TEMPERATURE, axis=-1)
    return weights

if __name__ == "__main__":
    import jax
    _d = setup_inputs()
    print(jax.jit(kernel)(*tuple(_d.values())))

</pallas_src>

<mosaic_0001>
#map = affine_map<(d0, d1) -> (0, 0, 0, 0)>
#map1 = affine_map<(d0, d1) -> (0, 0, 0)>
module attributes {stable_mosaic.version = 14 : i64} {
  func.func @_sc_pool_kernel(%arg0: i32, %arg1: i32, %arg2: memref<32x64x64x256xf32, #tpu.memory_space<hbm>>, %arg3: memref<16x2x256xf32, #tpu.memory_space<hbm>>, %arg4: memref<2x2x64x256xf32, #tpu.memory_space<vmem>>, %arg5: memref<64x256xf32, #tpu.memory_space<vmem>>, %arg6: memref<!tpu.dma_semaphore, #tpu.memory_space<semaphore_mem>>, %arg7: memref<!tpu.dma_semaphore, #tpu.memory_space<semaphore_mem>>) attributes {dimension_semantics = [#tpu.dimension_semantics<core_parallel>, #tpu.dimension_semantics<subcore_parallel>], iteration_bounds = array<i64: 2, 16>, scalar_prefetch = 0 : i64, scratch_operands = 4 : i64, tpu.core_type = #tpu.core_type<sc_vector_subcore>, window_params = [{transform_indices = #map}, {transform_indices = #map1}]} {
    %mul3A = arith.constant 2 : i32
    %mul3A_0 = arith.muli %arg1, %mul3A : i32
    %add3A = arith.addi %mul3A_0, %arg0 : i32
    %jit3A = arith.constant 16 : i32
    %div3A = arith.divsi %add3A, %jit3A : i32
    %sign3A = arith.constant 0 : i32
    %sign3A_1 = arith.cmpi sgt, %add3A, %sign3A : i32
    %sign3A_2 = arith.extui %sign3A_1 : i1 to i32
    %sign3A_3 = arith.constant 0 : i32
    %sign3A_4 = arith.cmpi slt, %add3A, %sign3A_3 : i32
    %sign3A_5 = arith.extui %sign3A_4 : i1 to i32
    %sign3A_6 = arith.subi %sign3A_2, %sign3A_5 : i32
    %sign3A_7 = arith.constant 0 : i32
    %sign3A_8 = arith.cmpi sgt, %jit3A, %sign3A_7 : i32
    %sign3A_9 = arith.extui %sign3A_8 : i1 to i32
    %sign3A_10 = arith.constant 0 : i32
    %sign3A_11 = arith.cmpi slt, %jit3A, %sign3A_10 : i32
    %sign3A_12 = arith.extui %sign3A_11 : i1 to i32
    %sign3A_13 = arith.subi %sign3A_9, %sign3A_12 : i32
    %ne3A = arith.cmpi ne, %sign3A_6, %sign3A_13 : i32
    %rem3A = arith.remsi %add3A, %jit3A : i32
    %ne3A_14 = arith.constant 0 : i32
    %ne3A_15 = arith.cmpi ne, %rem3A, %ne3A_14 : i32
    %and3A = arith.andi %ne3A, %ne3A_15 : i1
    %sub3A = arith.constant 1 : i32
    %sub3A_16 = arith.subi %div3A, %sub3A : i32
    %select_n3A = arith.select %and3A, %sub3A_16, %div3A : i32
    %add3A_17 = arith.constant 30 : i32
    %add3A_18 = arith.addi %add3A_17, %select_n3A : i32
    %jit3A_19 = arith.constant 16 : i32
    %eq3A = arith.constant 0 : i32
    %eq3A_20 = arith.cmpi eq, %jit3A_19, %eq3A : i32
    %jit3A_21 = arith.constant 1 : i32
    %select_n3A_22 = arith.select %eq3A_20, %jit3A_21, %jit3A_19 : i32
    %rem3A_23 = arith.remsi %add3A, %select_n3A_22 : i32
    %ne3A_24 = arith.constant 0 : i32
    %ne3A_25 = arith.cmpi ne, %rem3A_23, %ne3A_24 : i32
    %lt3A = arith.constant 0 : i32
    %lt3A_26 = arith.cmpi slt, %rem3A_23, %lt3A : i32
    %lt3A_27 = arith.constant 0 : i32
    %lt3A_28 = arith.cmpi slt, %select_n3A_22, %lt3A_27 : i32
    %ne3A_29 = arith.xori %lt3A_26, %lt3A_28 : i1
    %and3A_30 = arith.andi %ne3A_29, %ne3A_25 : i1
    %add3A_31 = arith.addi %rem3A_23, %select_n3A_22 : i32
    %select_n3A_32 = arith.select %and3A_30, %add3A_31, %rem3A_23 : i32
    %mul3A_33 = arith.constant 4 : i32
    %mul3A_34 = arith.muli %select_n3A_32, %mul3A_33 : i32
    %broadcast_in_dim3A = arith.constant 0.000000e+00 : f32
    %broadcast_in_dim3A_35 = vector.broadcast %broadcast_in_dim3A : f32 to vector<16xf32>
    %scan3A = arith.constant 0 : i32
    %scan3A_36 = arith.constant 0 : i32
    %scan3A_37 = arith.constant 64 : i32
    %scan3A_38 = arith.addi %scan3A_36, %scan3A_37 : i32
    %scan3A_39 = arith.constant 1 : i32
    %scan3A_40 = scf.for %scan3A_141 = %scan3A_36 to %scan3A_38 step %scan3A_39 iter_args(%scan3A_142 = %scan3A) -> (i32)  : i32 {
      %swap3A = arith.index_cast %scan3A_141 : i32 to index
      %swap3A_143 = arith.constant 0 : index
      %swap3A_144 = tpu.vector_load %arg5[%swap3A, %swap3A_143] {strides = array<i32>} : memref<64x256xf32, #tpu.memory_space<vmem>>, vector<1x16xf32>,
      %swap3A_145 = vector.shape_cast %swap3A_144 : vector<1x16xf32> to vector<16xf32>
      %swap3A_146 = vector.shape_cast %broadcast_in_dim3A_35 : vector<16xf32> to vector<1x16xf32>
      tpu.vector_store %arg5[%swap3A, %swap3A_143], %swap3A_146 {strides = array<i32>} : memref<64x256xf32, #tpu.memory_space<vmem>>, vector<1x16xf32>,
      %swap3A_147 = arith.index_cast %scan3A_141 : i32 to index
      %swap3A_148 = arith.constant 16 : index
      %swap3A_149 = tpu.vector_load %arg5[%swap3A_147, %swap3A_148] {strides = array<i32>} : memref<64x256xf32, #tpu.memory_space<vmem>>, vector<1x16xf32>,
      %swap3A_150 = vector.shape_cast %swap3A_149 : vector<1x16xf32> to vector<16xf32>
      %swap3A_151 = vector.shape_cast %broadcast_in_dim3A_35 : vector<16xf32> to vector<1x16xf32>
      tpu.vector_store %arg5[%swap3A_147, %swap3A_148], %swap3A_151 {strides = array<i32>} : memref<64x256xf32, #tpu.memory_space<vmem>>, vector<1x16xf32>,
      %swap3A_152 = arith.index_cast %scan3A_141 : i32 to index
      %swap3A_153 = arith.constant 32 : index
      %swap3A_154 = tpu.vector_load %arg5[%swap3A_152, %swap3A_153] {strides = array<i32>} : memref<64x256xf32, #tpu.memory_space<vmem>>, vector<1x16xf32>,
      %swap3A_155 = vector.shape_cast %swap3A_154 : vector<1x16xf32> to vector<16xf32>
      %swap3A_156 = vector.shape_cast %broadcast_in_dim3A_35 : vector<16xf32> to vector<1x16xf32>
      tpu.vector_store %arg5[%swap3A_152, %swap3A_153], %swap3A_156 {strides = array<i32>} : memref<64x256xf32, #tpu.memory_space<vmem>>, vector<1x16xf32>,
      %swap3A_157 = arith.index_cast %scan3A_141 : i32 to index
      %swap3A_158 = arith.constant 48 : index
      %swap3A_159 = tpu.vector_load %arg5[%swap3A_157, %swap3A_158] {strides = array<i32>} : memref<64x256xf32, #tpu.memory_space<vmem>>, vector<1x16xf32>,
      %swap3A_160 = vector.shape_cast %swap3A_159 : vector<1x16xf32> to vector<16xf32>
      %swap3A_161 = vector.shape_cast %broadcast_in_dim3A_35 : vector<16xf32> to vector<1x16xf32>
      tpu.vector_store %arg5[%swap3A_157, %swap3A_158], %swap3A_161 {strides = array<i32>} : memref<64x256xf32, #tpu.memory_space<vmem>>, vector<1x16xf32>,
      %swap3A_162 = arith.index_cast %scan3A_141 : i32 to index
      %swap3A_163 = arith.constant 64 : index
      %swap3A_164 = tpu.vector_load %arg5[%swap3A_162, %swap3A_163] {strides = array<i32>} : memref<64x256xf32, #tpu.memory_space<vmem>>, vector<1x16xf32>,
      %swap3A_165 = vector.shape_cast %swap3A_164 : vector<1x16xf32> to vector<16xf32>
      %swap3A_166 = vector.shape_cast %broadcast_in_dim3A_35 : vector<16xf32> to vector<1x16xf32>
      tpu.vector_store %arg5[%swap3A_162, %swap3A_163], %swap3A_166 {strides = array<i32>} : memref<64x256xf32, #tpu.memory_space<vmem>>, vector<1x16xf32>,
      %swap3A_167 = arith.index_cast %scan3A_141 : i32 to index
      %swap3A_168 = arith.constant 80 : index
      %swap3A_169 = tpu.vector_load %arg5[%swap3A_167, %swap3A_168] {strides = array<i32>} : memref<64x256xf32, #tpu.memory_space<vmem>>, vector<1x16xf32>,
      %swap3A_170 = vector.shape_cast %swap3A_169 : vector<1x16xf32> to vector<16xf32>
      %swap3A_171 = vector.shape_cast %broadcast_in_dim3A_35 : vector<16xf32> to vector<1x16xf32>
      tpu.vector_store %arg5[%swap3A_167, %swap3A_168], %swap3A_171 {strides = array<i32>} : memref<64x256xf32, #tpu.memory_space<vmem>>, vector<1x16xf32>,
      %swap3A_172 = arith.index_cast %scan3A_141 : i32 to index
      %swap3A_173 = arith.constant 96 : index
      %swap3A_174 = tpu.vector_load %arg5[%swap3A_172, %swap3A_173] {strides = array<i32>} : memref<64x256xf32, #tpu.memory_space<vmem>>, vector<1x16xf32>,
      %swap3A_175 = vector.shape_cast %swap3A_174 : vector<1x16xf32> to vector<16xf32>
      %swap3A_176 = vector.shape_cast %broadcast_in_dim3A_35 : vector<16xf32> to vector<1x16xf32>
      tpu.vector_store %arg5[%swap3A_172, %swap3A_173], %swap3A_176 {strides = array<i32>} : memref<64x256xf32, #tpu.memory_space<vmem>>, vector<1x16xf32>,
      %swap3A_177 = arith.index_cast %scan3A_141 : i32 to index
      %swap3A_178 = arith.constant 112 : index
      %swap3A_179 = tpu.vector_load %arg5[%swap3A_177, %swap3A_178] {strides = array<i32>} : memref<64x256xf32, #tpu.memory_space<vmem>>, vector<1x16xf32>,
      %swap3A_180 = vector.shape_cast %swap3A_179 : vector<1x16xf32> to vector<16xf32>
      %swap3A_181 = vector.shape_cast %broadcast_in_dim3A_35 : vector<16xf32> to vector<1x16xf32>
      tpu.vector_store %arg5[%swap3A_177, %swap3A_178], %swap3A_181 {strides = array<i32>} : memref<64x256xf32, #tpu.memory_space<vmem>>, vector<1x16xf32>,
      %swap3A_182 = arith.index_cast %scan3A_141 : i32 to index
      %swap3A_183 = arith.constant 128 : index
      %swap3A_184 = tpu.vector_load %arg5[%swap3A_182, %swap3A_183] {strides = array<i32>} : memref<64x256xf32, #tpu.memory_space<vmem>>, vector<1x16xf32>,
      %swap3A_185 = vector.shape_cast %swap3A_184 : vector<1x16xf32> to vector<16xf32>
      %swap3A_186 = vector.shape_cast %broadcast_in_dim3A_35 : vector<16xf32> to vector<1x16xf32>
      tpu.vector_store %arg5[%swap3A_182, %swap3A_183], %swap3A_186 {strides = array<i32>} : memref<64x256xf32, #tpu.memory_space<vmem>>, vector<1x16xf32>,
      %swap3A_187 = arith.index_cast %scan3A_141 : i32 to index
      %swap3A_188 = arith.constant 144 : index
      %swap3A_189 = tpu.vector_load %arg5[%swap3A_187, %swap3A_188] {strides = array<i32>} : memref<64x256xf32, #tpu.memory_space<vmem>>, vector<1x16xf32>,
      %swap3A_190 = vector.shape_cast %swap3A_189 : vector<1x16xf32> to vector<16xf32>
      %swap3A_191 = vector.shape_cast %broadcast_in_dim3A_35 : vector<16xf32> to vector<1x16xf32>
      tpu.vector_store %arg5[%swap3A_187, %swap3A_188], %swap3A_191 {strides = array<i32>} : memref<64x256xf32, #tpu.memory_space<vmem>>, vector<1x16xf32>,
      %swap3A_192 = arith.index_cast %scan3A_141 : i32 to index
      %swap3A_193 = arith.constant 160 : index
      %swap3A_194 = tpu.vector_load %arg5[%swap3A_192, %swap3A_193] {strides = array<i32>} : memref<64x256xf32, #tpu.memory_space<vmem>>, vector<1x16xf32>,
      %swap3A_195 = vector.shape_cast %swap3A_194 : vector<1x16xf32> to vector<16xf32>
      %swap3A_196 = vector.shape_cast %broadcast_in_dim3A_35 : vector<16xf32> to vector<1x16xf32>
      tpu.vector_store %arg5[%swap3A_192, %swap3A_193], %swap3A_196 {strides = array<i32>} : memref<64x256xf32, #tpu.memory_space<vmem>>, vector<1x16xf32>,
      %swap3A_197 = arith.index_cast %scan3A_141 : i32 to index
      %swap3A_198 = arith.constant 176 : index
      %swap3A_199 = tpu.vector_load %arg5[%swap3A_197, %swap3A_198] {strides = array<i32>} : memref<64x256xf32, #tpu.memory_space<vmem>>, vector<1x16xf32>,
      %swap3A_200 = vector.shape_cast %swap3A_199 : vector<1x16xf32> to vector<16xf32>
      %swap3A_201 = vector.shape_cast %broadcast_in_dim3A_35 : vector<16xf32> to vector<1x16xf32>
      tpu.vector_store %arg5[%swap3A_197, %swap3A_198], %swap3A_201 {strides = array<i32>} : memref<64x256xf32, #tpu.memory_space<vmem>>, vector<1x16xf32>,
      %swap3A_202 = arith.index_cast %scan3A_141 : i32 to index
      %swap3A_203 = arith.constant 192 : index
      %swap3A_204 = tpu.vector_load %arg5[%swap3A_202, %swap3A_203] {strides = array<i32>} : memref<64x256xf32, #tpu.memory_space<vmem>>, vector<1x16xf32>,
      %swap3A_205 = vector.shape_cast %swap3A_204 : vector<1x16xf32> to vector<16xf32>
      %swap3A_206 = vector.shape_cast %broadcast_in_dim3A_35 : vector<16xf32> to vector<1x16xf32>
      tpu.vector_store %arg5[%swap3A_202, %swap3A_203], %swap3A_206 {strides = array<i32>} : memref<64x256xf32, #tpu.memory_space<vmem>>, vector<1x16xf32>,
      %swap3A_207 = arith.index_cast %scan3A_141 : i32 to index
      %swap3A_208 = arith.constant 208 : index
      %swap3A_209 = tpu.vector_load %arg5[%swap3A_207, %swap3A_208] {strides = array<i32>} : memref<64x256xf32, #tpu.memory_space<vmem>>, vector<1x16xf32>,
      %swap3A_210 = vector.shape_cast %swap3A_209 : vector<1x16xf32> to vector<16xf32>
      %swap3A_211 = vector.shape_cast %broadcast_in_dim3A_35 : vector<16xf32> to vector<1x16xf32>
      tpu.vector_store %arg5[%swap3A_207, %swap3A_208], %swap3A_211 {strides = array<i32>} : memref<64x256xf32, #tpu.memory_space<vmem>>, vector<1x16xf32>,
      %swap3A_212 = arith.index_cast %scan3A_141 : i32 to index
      %swap3A_213 = arith.constant 224 : index
      %swap3A_214 = tpu.vector_load %arg5[%swap3A_212, %swap3A_213] {strides = array<i32>} : memref<64x256xf32, #tpu.memory_space<vmem>>, vector<1x16xf32>,
      %swap3A_215 = vector.shape_cast %swap3A_214 : vector<1x16xf32> to vector<16xf32>
      %swap3A_216 = vector.shape_cast %broadcast_in_dim3A_35 : vector<16xf32> to vector<1x16xf32>
      tpu.vector_store %arg5[%swap3A_212, %swap3A_213], %swap3A_216 {strides = array<i32>} : memref<64x256xf32, #tpu.memory_space<vmem>>, vector<1x16xf32>,
      %swap3A_217 = arith.index_cast %scan3A_141 : i32 to index
      %swap3A_218 = arith.constant 240 : index
      %swap3A_219 = tpu.vector_load %arg5[%swap3A_217, %swap3A_218] {strides = array<i32>} : memref<64x256xf32, #tpu.memory_space<vmem>>, vector<1x16xf32>,
      %swap3A_220 = vector.shape_cast %swap3A_219 : vector<1x16xf32> to vector<16xf32>
      %swap3A_221 = vector.shape_cast %broadcast_in_dim3A_35 : vector<16xf32> to vector<1x16xf32>
      tpu.vector_store %arg5[%swap3A_217, %swap3A_218], %swap3A_221 {strides = array<i32>} : memref<64x256xf32, #tpu.memory_space<vmem>>, vector<1x16xf32>,
      %scan3A_222 = arith.constant 0 : i32
      scf.yield %scan3A_222 : i32
    }
    %scan3A_41 = arith.constant 64 : i32
    %dma_start3A = arith.constant 0 : i32
    %dma_start3A_42 = arith.constant 0 : i32
    %dma_start3A_43 = arith.constant 0 : i32
    %dma_start3A_44 = arith.constant 0 : i32
    %dma_start3A_45 = tpu.memref_slice %arg4[%dma_start3A, %dma_start3A_42, %dma_start3A_43, %dma_start3A_44] : memref<2x2x64x256xf32, #tpu.memory_space<vmem>> -> memref<1x2x64x256xf32, #tpu.memory_space<vmem>>
    %dma_start3A_46 = tpu.memref_squeeze %dma_start3A_45 : memref<1x2x64x256xf32, #tpu.memory_space<vmem>> -> memref<2x64x256xf32, #tpu.memory_space<vmem>>
    %dma_start3A_47 = arith.constant 0 : i32
    %dma_start3A_48 = arith.constant 0 : i32
    %dma_start3A_49 = tpu.memref_slice %arg2[%add3A_18, %mul3A_34, %dma_start3A_47, %dma_start3A_48] : memref<32x64x64x256xf32, #tpu.memory_space<hbm>> -> memref<1x2x64x256xf32, #tpu.memory_space<hbm>>
    %dma_start3A_50 = tpu.memref_squeeze %dma_start3A_49 : memref<1x2x64x256xf32, #tpu.memory_space<hbm>> -> memref<2x64x256xf32, #tpu.memory_space<hbm>>
    %dma_start3A_51 = arith.constant 0 : i32
    %dma_start3A_52 = arith.constant 0 : i32
    %dma_start3A_53 = arith.constant 0 : i32
    %dma_start3A_54 = tpu.memref_slice %arg4[%dma_start3A, %dma_start3A_51, %dma_start3A_52, %dma_start3A_53] : memref<2x2x64x256xf32, #tpu.memory_space<vmem>> -> memref<1x2x64x256xf32, #tpu.memory_space<vmem>>
    %dma_start3A_55 = tpu.memref_squeeze %dma_start3A_54 : memref<1x2x64x256xf32, #tpu.memory_space<vmem>> -> memref<2x64x256xf32, #tpu.memory_space<vmem>>
    %dma_start3A_56 = arith.constant 0 : i32
    %dma_start3A_57 = arith.constant 0 : i32
    %dma_start3A_58 = tpu.memref_slice %arg2[%add3A_18, %mul3A_34, %dma_start3A_56, %dma_start3A_57] : memref<32x64x64x256xf32, #tpu.memory_space<hbm>> -> memref<1x2x64x256xf32, #tpu.memory_space<hbm>>
    %dma_start3A_59 = tpu.memref_squeeze %dma_start3A_58 : memref<1x2x64x256xf32, #tpu.memory_space<hbm>> -> memref<2x64x256xf32, #tpu.memory_space<hbm>>
    tpu.enqueue_dma source(%dma_start3A_59 : memref<2x64x256xf32, #tpu.memory_space<hbm>>) target(%dma_start3A_55 : memref<2x64x256xf32, #tpu.memory_space<vmem>>) target_semaphore(%arg6 : memref<!tpu.dma_semaphore, #tpu.memory_space<semaphore_mem>>)
    %dma_wait3A = arith.constant 0 : i32
    %dma_wait3A_60 = arith.constant 0 : i32
    %dma_wait3A_61 = arith.constant 0 : i32
    %dma_wait3A_62 = arith.constant 0 : i32
    %dma_wait3A_63 = tpu.memref_slice %arg4[%dma_wait3A, %dma_wait3A_60, %dma_wait3A_61, %dma_wait3A_62] : memref<2x2x64x256xf32, #tpu.memory_space<vmem>> -> memref<1x2x64x256xf32, #tpu.memory_space<vmem>>
    %dma_wait3A_64 = tpu.memref_squeeze %dma_wait3A_63 : memref<1x2x64x256xf32, #tpu.memory_space<vmem>> -> memref<2x64x256xf32, #tpu.memory_space<vmem>>
    %dma_wait3A_65 = arith.constant 0 : i32
    %dma_wait3A_66 = arith.constant 0 : i32
    %dma_wait3A_67 = tpu.memref_slice %arg2[%add3A_18, %mul3A_34, %dma_wait3A_65, %dma_wait3A_66] : memref<32x64x64x256xf32, #tpu.memory_space<hbm>> -> memref<1x2x64x256xf32, #tpu.memory_space<hbm>>
    %dma_wait3A_68 = tpu.memref_squeeze %dma_wait3A_67 : memref<1x2x64x256xf32, #tpu.memory_space<hbm>> -> memref<2x64x256xf32, #tpu.memory_space<hbm>>
    %dma_wait3A_69 = arith.constant 0 : i32
    %dma_wait3A_70 = arith.constant 0 : i32
    %dma_wait3A_71 = arith.constant 0 : i32
    %dma_wait3A_72 = tpu.memref_slice %arg4[%dma_wait3A, %dma_wait3A_69, %dma_wait3A_70, %dma_wait3A_71] : memref<2x2x64x256xf32, #tpu.memory_space<vmem>> -> memref<1x2x64x256xf32, #tpu.memory_space<vmem>>
    %dma_wait3A_73 = tpu.memref_squeeze %dma_wait3A_72 : memref<1x2x64x256xf32, #tpu.memory_space<vmem>> -> memref<2x64x256xf32, #tpu.memory_space<vmem>>
    %dma_wait3A_74 = arith.constant 0 : i32
    %dma_wait3A_75 = arith.constant 0 : i32
    %dma_wait3A_76 = tpu.memref_slice %arg2[%add3A_18, %mul3A_34, %dma_wait3A_74, %dma_wait3A_75] : memref<32x64x64x256xf32, #tpu.memory_space<hbm>> -> memref<1x2x64x256xf32, #tpu.memory_space<hbm>>
    %dma_wait3A_77 = tpu.memref_squeeze %dma_wait3A_76 : memref<1x2x64x256xf32, #tpu.memory_space<hbm>> -> memref<2x64x256xf32, #tpu.memory_space<hbm>>
    tpu.wait_dma2 semaphore(%arg6 : memref<!tpu.dma_semaphore, #tpu.memory_space<semaphore_mem>>) src(%dma_wait3A_77 : memref<2x64x256xf32, #tpu.memory_space<hbm>>) dst(%dma_wait3A_73 : memref<2x64x256xf32, #tpu.memory_space<vmem>>)
    %add3A_78 = arith.constant 2 : i32
    %add3A_79 = arith.addi %mul3A_34, %add3A_78 : i32
    %dma_start3A_80 = arith.constant 1 : i32
    %dma_start3A_81 = arith.constant 0 : i32
    %dma_start3A_82 = arith.constant 0 : i32
    %dma_start3A_83 = arith.constant 0 : i32
    %dma_start3A_84 = tpu.memref_slice %arg4[%dma_start3A_80, %dma_start3A_81, %dma_start3A_82, %dma_start3A_83] : memref<2x2x64x256xf32, #tpu.memory_space<vmem>> -> memref<1x2x64x256xf32, #tpu.memory_space<vmem>>
    %dma_start3A_85 = tpu.memref_squeeze %dma_start3A_84 : memref<1x2x64x256xf32, #tpu.memory_space<vmem>> -> memref<2x64x256xf32, #tpu.memory_space<vmem>>
    %dma_start3A_86 = arith.constant 0 : i32
    %dma_start3A_87 = arith.constant 0 : i32
    %dma_start3A_88 = tpu.memref_slice %arg2[%add3A_18, %add3A_79, %dma_start3A_86, %dma_start3A_87] : memref<32x64x64x256xf32, #tpu.memory_space<hbm>> -> memref<1x2x64x256xf32, #tpu.memory_space<hbm>>
    %dma_start3A_89 = tpu.memref_squeeze %dma_start3A_88 : memref<1x2x64x256xf32, #tpu.memory_space<hbm>> -> memref<2x64x256xf32, #tpu.memory_space<hbm>>
    %dma_start3A_90 = arith.constant 0 : i32
    %dma_start3A_91 = arith.constant 0 : i32
    %dma_start3A_92 = arith.constant 0 : i32
    %dma_start3A_93 = tpu.memref_slice %arg4[%dma_start3A_80, %dma_start3A_90, %dma_start3A_91, %dma_start3A_92] : memref<2x2x64x256xf32, #tpu.memory_space<vmem>> -> memref<1x2x64x256xf32, #tpu.memory_space<vmem>>
    %dma_start3A_94 = tpu.memref_squeeze %dma_start3A_93 : memref<1x2x64x256xf32, #tpu.memory_space<vmem>> -> memref<2x64x256xf32, #tpu.memory_space<vmem>>
    %dma_start3A_95 = arith.constant 0 : i32
    %dma_start3A_96 = arith.constant 0 : i32
    %dma_start3A_97 = tpu.memref_slice %arg2[%add3A_18, %add3A_79, %dma_start3A_95, %dma_start3A_96] : memref<32x64x64x256xf32, #tpu.memory_space<hbm>> -> memref<1x2x64x256xf32, #tpu.memory_space<hbm>>
    %dma_start3A_98 = tpu.memref_squeeze %dma_start3A_97 : memref<1x2x64x256xf32, #tpu.memory_space<hbm>> -> memref<2x64x256xf32, #tpu.memory_space<hbm>>
    tpu.enqueue_dma source(%dma_start3A_98 : memref<2x64x256xf32, #tpu.memory_space<hbm>>) target(%dma_start3A_94 : memref<2x64x256xf32, #tpu.memory_space<vmem>>) target_semaphore(%arg7 : memref<!tpu.dma_semaphore, #tpu.memory_space<semaphore_mem>>)
    %scan3A_99 = arith.constant 0 : i32
    %scan3A_100 = arith.constant 0 : i32
    %scan3A_101 = arith.constant 64 : i32
    %scan3A_102 = arith.addi %scan3A_100, %scan3A_101 : i32
    %scan3A_103 = arith.constant 1 : i32
    %scan3A_104 = scf.for %scan3A_141 = %scan3A_100 to %scan3A_102 step %scan3A_103 iter_args(%scan3A_142 = %scan3A_99) -> (i32)  : i32 {
      %get3A = arith.constant 0 : i32
      %get3A_143 = arith.constant 0 : i32
      %get3A_144 = arith.index_cast %get3A : i32 to index
      %get3A_145 = arith.index_cast %get3A_143 : i32 to index
      %get3A_146 = arith.index_cast %scan3A_141 : i32 to index
      %get3A_147 = arith.constant 0 : index
      %get3A_148 = tpu.vector_load %arg4[%get3A_144, %get3A_145, %get3A_146, %get3A_147] {strides = array<i32>} : memref<2x2x64x256xf32, #tpu.memory_space<vmem>>, vector<1x1x1x16xf32>,
      %get3A_149 = vector.shape_cast %get3A_148 : vector<1x1x1x16xf32> to vector<16xf32>
      %swap3A = arith.index_cast %scan3A_141 : i32 to index
      %swap3A_150 = arith.constant 0 : index
      %swap3A_151 = tpu.vector_load %arg5[%swap3A, %swap3A_150] {strides = array<i32>} : memref<64x256xf32, #tpu.memory_space<vmem>>, vector<1x16xf32>,
      %swap3A_152 = vector.shape_cast %swap3A_151 : vector<1x16xf32> to vector<16xf32>
      %swap3A_153 = vector.shape_cast %get3A_149 : vector<16xf32> to vector<1x16xf32>
      tpu.vector_store %arg5[%swap3A, %swap3A_150], %swap3A_153 {add = true, strides = array<i32>} : memref<64x256xf32, #tpu.memory_space<vmem>>, vector<1x16xf32>,
      %get3A_154 = arith.constant 0 : i32
      %get3A_155 = arith.constant 0 : i32
      %get3A_156 = arith.index_cast %get3A_154 : i32 to index
      %get3A_157 = arith.index_cast %get3A_155 : i32 to index
      %get3A_158 = arith.index_cast %scan3A_141 : i32 to index
      %get3A_159 = arith.constant 16 : index
      %get3A_160 = tpu.vector_load %arg4[%get3A_156, %get3A_157, %get3A_158, %get3A_159] {strides = array<i32>} : memref<2x2x64x256xf32, #tpu.memory_space<vmem>>, vector<1x1x1x16xf32>,
      %get3A_161 = vector.shape_cast %get3A_160 : vector<1x1x1x16xf32> to vector<16xf32>
      %swap3A_162 = arith.index_cast %scan3A_141 : i32 to index
      %swap3A_163 = arith.constant 16 : index
      %swap3A_164 = tpu.vector_load %arg5[%swap3A_162, %swap3A_163] {strides = array<i32>} : memref<64x256xf32, #tpu.memory_space<vmem>>, vector<1x16xf32>,
      %swap3A_165 = vector.shape_cast %swap3A_164 : vector<1x16xf32> to vector<16xf32>
      %swap3A_166 = vector.shape_cast %get3A_161 : vector<16xf32> to vector<1x16xf32>
      tpu.vector_store %arg5[%swap3A_162, %swap3A_163], %swap3A_166 {add = true, strides = array<i32>} : memref<64x256xf32, #tpu.memory_space<vmem>>, vector<1x16xf32>,
      %get3A_167 = arith.constant 0 : i32
      %get3A_168 = arith.constant 0 : i32
      %get3A_169 = arith.index_cast %get3A_167 : i32 to index
      %get3A_170 = arith.index_cast %get3A_168 : i32 to index
      %get3A_171 = arith.index_cast %scan3A_141 : i32 to index
      %get3A_172 = arith.constant 32 : index
      %get3A_173 = tpu.vector_load %arg4[%get3A_169, %get3A_170, %get3A_171, %get3A_172] {strides = array<i32>} : memref<2x2x64x256xf32, #tpu.memory_space<vmem>>, vector<1x1x1x16xf32>,
      %get3A_174 = vector.shape_cast %get3A_173 : vector<1x1x1x16xf32> to vector<16xf32>
      %swap3A_175 = arith.index_cast %scan3A_141 : i32 to index
      %swap3A_176 = arith.constant 32 : index
      %swap3A_177 = tpu.vector_load %arg5[%swap3A_175, %swap3A_176] {strides = array<i32>} : memref<64x256xf32, #tpu.memory_space<vmem>>, vector<1x16xf32>,
      %swap3A_178 = vector.shape_cast %swap3A_177 : vector<1x16xf32> to vector<16xf32>
      %swap3A_179 = vector.shape_cast %get3A_174 : vector<16xf32> to vector<1x16xf32>
      tpu.vector_store %arg5[%swap3A_175, %swap3A_176], %swap3A_179 {add = true, strides = array<i32>} : memref<64x256xf32, #tpu.memory_space<vmem>>, vector<1x16xf32>,
      %get3A_180 = arith.constant 0 : i32
      %get3A_181 = arith.constant 0 : i32
      %get3A_182 = arith.index_cast %get3A_180 : i32 to index
      %get3A_183 = arith.index_cast %get3A_181 : i32 to index
      %get3A_184 = arith.index_cast %scan3A_141 : i32 to index
      %get3A_185 = arith.constant 48 : index
      %get3A_186 = tpu.vector_load %arg4[%get3A_182, %get3A_183, %get3A_184, %get3A_185] {strides = array<i32>} : memref<2x2x64x256xf32, #tpu.memory_space<vmem>>, vector<1x1x1x16xf32>,
      %get3A_187 = vector.shape_cast %get3A_186 : vector<1x1x1x16xf32> to vector<16xf32>
      %swap3A_188 = arith.index_cast %scan3A_141 : i32 to index
      %swap3A_189 = arith.constant 48 : index
      %swap3A_190 = tpu.vector_load %arg5[%swap3A_188, %swap3A_189] {strides = array<i32>} : memref<64x256xf32, #tpu.memory_space<vmem>>, vector<1x16xf32>,
      %swap3A_191 = vector.shape_cast %swap3A_190 : vector<1x16xf32> to vector<16xf32>
      %swap3A_192 = vector.shape_cast %get3A_187 : vector<16xf32> to vector<1x16xf32>
      tpu.vector_store %arg5[%swap3A_188, %swap3A_189], %swap3A_192 {add = true, strides = array<i32>} : memref<64x256xf32, #tpu.memory_space<vmem>>, vector<1x16xf32>,
      %get3A_193 = arith.constant 0 : i32
      %get3A_194 = arith.constant 0 : i32
      %get3A_195 = arith.index_cast %get3A_193 : i32 to index
      %get3A_196 = arith.index_cast %get3A_194 : i32 to index
      %get3A_197 = arith.index_cast %scan3A_141 : i32 to index
      %get3A_198 = arith.constant 64 : index
      %get3A_199 = tpu.vector_load %arg4[%get3A_195, %get3A_196, %get3A_197, %get3A_198] {strides = array<i32>} : memref<2x2x64x256xf32, #tpu.memory_space<vmem>>, vector<1x1x1x16xf32>,
      %get3A_200 = vector.shape_cast %get3A_199 : vector<1x1x1x16xf32> to vector<16xf32>
      %swap3A_201 = arith.index_cast %scan3A_141 : i32 to index
      %swap3A_202 = arith.constant 64 : index
      %swap3A_203 = tpu.vector_load %arg5[%swap3A_201, %swap3A_202] {strides = array<i32>} : memref<64x256xf32, #tpu.memory_space<vmem>>, vector<1x16xf32>,
      %swap3A_204 = vector.shape_cast %swap3A_203 : vector<1x16xf32> to vector<16xf32>
      %swap3A_205 = vector.shape_cast %get3A_200 : vector<16xf32> to vector<1x16xf32>
      tpu.vector_store %arg5[%swap3A_201, %swap3A_202], %swap3A_205 {add = true, strides = array<i32>} : memref<64x256xf32, #tpu.memory_space<vmem>>, vector<1x16xf32>,
      %get3A_206 = arith.constant 0 : i32
      %get3A_207 = arith.constant 0 : i32
      %get3A_208 = arith.index_cast %get3A_206 : i32 to index
      %get3A_209 = arith.index_cast %get3A_207 : i32 to index
      %get3A_210 = arith.index_cast %scan3A_141 : i32 to index
      %get3A_211 = arith.constant 80 : index
      %get3A_212 = tpu.vector_load %arg4[%get3A_208, %get3A_209, %get3A_210, %get3A_211] {strides = array<i32>} : memref<2x2x64x256xf32, #tpu.memory_space<vmem>>, vector<1x1x1x16xf32>,
      %get3A_213 = vector.shape_cast %get3A_212 : vector<1x1x1x16xf32> to vector<16xf32>
      %swap3A_214 = arith.index_cast %scan3A_141 : i32 to index
      %swap3A_215 = arith.constant 80 : index
      %swap3A_216 = tpu.vector_load %arg5[%swap3A_214, %swap3A_215] {strides = array<i32>} : memref<64x256xf32, #tpu.memory_space<vmem>>, vector<1x16xf32>,
      %swap3A_217 = vector.shape_cast %swap3A_216 : vector<1x16xf32> to vector<16xf32>
      %swap3A_218 = vector.shape_cast %get3A_213 : vector<16xf32> to vector<1x16xf32>
      tpu.vector_store %arg5[%swap3A_214, %swap3A_215], %swap3A_218 {add = true, strides = array<i32>} : memref<64x256xf32, #tpu.memory_space<vmem>>, vector<1x16xf32>,
      %get3A_219 = arith.constant 0 : i32
      %get3A_220 = arith.constant 0 : i32
      %get3A_221 = arith.index_cast %get3A_219 : i32 to index
      %get3A_222 = arith.index_cast %get3A_220 : i32 to index
      %get3A_223 = arith.index_cast %scan3A_141 : i32 to index
      %get3A_224 = arith.constant 96 : index
      %get3A_225 = tpu.vector_load %arg4[%get3A_221, %get3A_222, %get3A_223, %get3A_224] {strides = array<i32>} : memref<2x2x64x256xf32, #tpu.memory_space<vmem>>, vector<1x1x1x16xf32>,
      %get3A_226 = vector.shape_cast %get3A_225 : vector<1x1x1x16xf32> to vector<16xf32>
      %swap3A_227 = arith.index_cast %scan3A_141 : i32 to index
      %swap3A_228 = arith.constant 96 : index
      %swap3A_229 = tpu.vector_load %arg5[%swap3A_227, %swap3A_228] {strides = array<i32>} : memref<64x256xf32, #tpu.memory_space<vmem>>, vector<1x16xf32>,
      %swap3A_230 = vector.shape_cast %swap3A_229 : vector<1x16xf32> to vector<16xf32>
      %swap3A_231 = vector.shape_cast %get3A_226 : vector<16xf32> to vector<1x16xf32>
      tpu.vector_store %arg5[%swap3A_227, %swap3A_228], %swap3A_231 {add = true, strides = array<i32>} : memref<64x256xf32, #tpu.memory_space<vmem>>, vector<1x16xf32>,
      %get3A_232 = arith.constant 0 : i32
      %get3A_233 = arith.constant 0 : i32
      %get3A_234 = arith.index_cast %get3A_232 : i32 to index
      %get3A_235 = arith.index_cast %get3A_233 : i32 to index
      %get3A_236 = arith.index_cast %scan3A_141 : i32 to index
      %get3A_237 = arith.constant 112 : index
      %get3A_238 = tpu.vector_load %arg4[%get3A_234, %get3A_235, %get3A_236, %get3A_237] {strides = array<i32>} : memref<2x2x64x256xf32, #tpu.memory_space<vmem>>, vector<1x1x1x16xf32>,
      %get3A_239 = vector.shape_cast %get3A_238 : vector<1x1x1x16xf32> to vector<16xf32>
      %swap3A_240 = arith.index_cast %scan3A_141 : i32 to index
      %swap3A_241 = arith.constant 112 : index
      %swap3A_242 = tpu.vector_load %arg5[%swap3A_240, %swap3A_241] {strides = array<i32>} : memref<64x256xf32, #tpu.memory_space<vmem>>, vector<1x16xf32>,
      %swap3A_243 = vector.shape_cast %swap3A_242 : vector<1x16xf32> to vector<16xf32>
      %swap3A_244 = vector.shape_cast %get3A_239 : vector<16xf32> to vector<1x16xf32>
      tpu.vector_store %arg5[%swap3A_240, %swap3A_241], %swap3A_244 {add = true, strides = array<i32>} : memref<64x256xf32, #tpu.memory_space<vmem>>, vector<1x16xf32>,
      %get3A_245 = arith.constant 0 : i32
      %get3A_246 = arith.constant 0 : i32
      %get3A_247 = arith.index_cast %get3A_245 : i32 to index
      %get3A_248 = arith.index_cast %get3A_246 : i32 to index
      %get3A_249 = arith.index_cast %scan3A_141 : i32 to index
      %get3A_250 = arith.constant 128 : index
      %get3A_251 = tpu.vector_load %arg4[%get3A_247, %get3A_248, %get3A_249, %get3A_250] {strides = array<i32>} : memref<2x2x64x256xf32, #tpu.memory_space<vmem>>, vector<1x1x1x16xf32>,
      %get3A_252 = vector.shape_cast %get3A_251 : vector<1x1x1x16xf32> to vector<16xf32>
      %swap3A_253 = arith.index_cast %scan3A_141 : i32 to index
      %swap3A_254 = arith.constant 128 : index
      %swap3A_255 = tpu.vector_load %arg5[%swap3A_253, %swap3A_254] {strides = array<i32>} : memref<64x256xf32, #tpu.memory_space<vmem>>, vector<1x16xf32>,
      %swap3A_256 = vector.shape_cast %swap3A_255 : vector<1x16xf32> to vector<16xf32>
      %swap3A_257 = vector.shape_cast %get3A_252 : vector<16xf32> to vector<1x16xf32>
      tpu.vector_store %arg5[%swap3A_253, %swap3A_254], %swap3A_257 {add = true, strides = array<i32>} : memref<64x256xf32, #tpu.memory_space<vmem>>, vector<1x16xf32>,
      %get3A_258 = arith.constant 0 : i32
      %get3A_259 = arith.constant 0 : i32
      %get3A_260 = arith.index_cast %get3A_258 : i32 to index
      %get3A_261 = arith.index_cast %get3A_259 : i32 to index
      %get3A_262 = arith.index_cast %scan3A_141 : i32 to index
      %get3A_263 = arith.constant 144 : index
      %get3A_264 = tpu.vector_load %arg4[%get3A_260, %get3A_261, %get3A_262, %get3A_263] {strides = array<i32>} : memref<2x2x64x256xf32, #tpu.memory_space<vmem>>, vector<1x1x1x16xf32>,
      %get3A_265 = vector.shape_cast %get3A_264 : vector<1x1x1x16xf32> to vector<16xf32>
      %swap3A_266 = arith.index_cast %scan3A_141 : i32 to index
      %swap3A_267 = arith.constant 144 : index
      %swap3A_268 = tpu.vector_load %arg5[%swap3A_266, %swap3A_267] {strides = array<i32>} : memref<64x256xf32, #tpu.memory_space<vmem>>, vector<1x16xf32>,
      %swap3A_269 = vector.shape_cast %swap3A_268 : vector<1x16xf32> to vector<16xf32>
      %swap3A_270 = vector.shape_cast %get3A_265 : vector<16xf32> to vector<1x16xf32>
      tpu.vector_store %arg5[%swap3A_266, %swap3A_267], %swap3A_270 {add = true, strides = array<i32>} : memref<64x256xf32, #tpu.memory_space<vmem>>, vector<1x16xf32>,
      %get3A_271 = arith.constant 0 : i32
      %get3A_272 = arith.constant 0 : i32
      %get3A_273 = arith.index_cast %get3A_271 : i32 to index
      %get3A_274 = arith.index_cast %get3A_272 : i32 to index
      %get3A_275 = arith.index_cast %scan3A_141 : i32 to index
      %get3A_276 = arith.constant 160 : index
      %get3A_277 = tpu.vector_load %arg4[%get3A_273, %get3A_274, %get3A_275, %get3A_276] {strides = array<i32>} : memref<2x2x64x256xf32, #tpu.memory_space<vmem>>, vector<1x1x1x16xf32>,
      %get3A_278 = vector.shape_cast %get3A_277 : vector<1x1x1x16xf32> to vector<16xf32>
      %swap3A_279 = arith.index_cast %scan3A_141 : i32 to index
      %swap3A_280 = arith.constant 160 : index
      %swap3A_281 = tpu.vector_load %arg5[%swap3A_279, %swap3A_280] {strides = array<i32>} : memref<64x256xf32, #tpu.memory_space<vmem>>, vector<1x16xf32>,
      %swap3A_282 = vector.shape_cast %swap3A_281 : vector<1x16xf32> to vector<16xf32>
      %swap3A_283 = vector.shape_cast %get3A_278 : vector<16xf32> to vector<1x16xf32>
      tpu.vector_store %arg5[%swap3A_279, %swap3A_280], %swap3A_283 {add = true, strides = array<i32>} : memref<64x256xf32, #tpu.memory_space<vmem>>, vector<1x16xf32>,
      %get3A_284 = arith.constant 0 : i32
      %get3A_285 = arith.constant 0 : i32
      %get3A_286 = arith.index_cast %get3A_284 : i32 to index
      %get3A_287 = arith.index_cast %get3A_285 : i32 to index
      %get3A_288 = arith.index_cast %scan3A_141 : i32 to index
      %get3A_289 = arith.constant 176 : index
      %get3A_290 = tpu.vector_load %arg4[%get3A_286, %get3A_287, %get3A_288, %get3A_289] {strides = array<i32>} : memref<2x2x64x256xf32, #tpu.memory_space<vmem>>, vector<1x1x1x16xf32>,
      %get3A_291 = vector.shape_cast %get3A_290 : vector<1x1x1x16xf32> to vector<16xf32>
      %swap3A_292 = arith.index_cast %scan3A_141 : i32 to index
      %swap3A_293 = arith.constant 176 : index
      %swap3A_294 = tpu.vector_load %arg5[%swap3A_292, %swap3A_293] {strides = array<i32>} : memref<64x256xf32, #tpu.memory_space<vmem>>, vector<1x16xf32>,
      %swap3A_295 = vector.shape_cast %swap3A_294 : vector<1x16xf32> to vector<16xf32>
      %swap3A_296 = vector.shape_cast %get3A_291 : vector<16xf32> to vector<1x16xf32>
      tpu.vector_store %arg5[%swap3A_292, %swap3A_293], %swap3A_296 {add = true, strides = array<i32>} : memref<64x256xf32, #tpu.memory_space<vmem>>, vector<1x16xf32>,
      %get3A_297 = arith.constant 0 : i32
      %get3A_298 = arith.constant 0 : i32
      %get3A_299 = arith.index_cast %get3A_297 : i32 to index
      %get3A_300 = arith.index_cast %get3A_298 : i32 to index
      %get3A_301 = arith.index_cast %scan3A_141 : i32 to index
      %get3A_302 = arith.constant 192 : index
      %get3A_303 = tpu.vector_load %arg4[%get3A_299, %get3A_300, %get3A_301, %get3A_302] {strides = array<i32>} : memref<2x2x64x256xf32, #tpu.memory_space<vmem>>, vector<1x1x1x16xf32>,
      %get3A_304 = vector.shape_cast %get3A_303 : vector<1x1x1x16xf32> to vector<16xf32>
      %swap3A_305 = arith.index_cast %scan3A_141 : i32 to index
      %swap3A_306 = arith.constant 192 : index
      %swap3A_307 = tpu.vector_load %arg5[%swap3A_305, %swap3A_306] {strides = array<i32>} : memref<64x256xf32, #tpu.memory_space<vmem>>, vector<1x16xf32>,
      %swap3A_308 = vector.shape_cast %swap3A_307 : vector<1x16xf32> to vector<16xf32>
      %swap3A_309 = vector.shape_cast %get3A_304 : vector<16xf32> to vector<1x16xf32>
      tpu.vector_store %arg5[%swap3A_305, %swap3A_306], %swap3A_309 {add = true, strides = array<i32>} : memref<64x256xf32, #tpu.memory_space<vmem>>, vector<1x16xf32>,
      %get3A_310 = arith.constant 0 : i32
      %get3A_311 = arith.constant 0 : i32
      %get3A_312 = arith.index_cast %get3A_310 : i32 to index
      %get3A_313 = arith.index_cast %get3A_311 : i32 to index
      %get3A_314 = arith.index_cast %scan3A_141 : i32 to index
      %get3A_315 = arith.constant 208 : index
      %get3A_316 = tpu.vector_load %arg4[%get3A_312, %get3A_313, %get3A_314, %get3A_315] {strides = array<i32>} : memref<2x2x64x256xf32, #tpu.memory_space<vmem>>, vector<1x1x1x16xf32>,
      %get3A_317 = vector.shape_cast %get3A_316 : vector<1x1x1x16xf32> to vector<16xf32>
      %swap3A_318 = arith.index_cast %scan3A_141 : i32 to index
      %swap3A_319 = arith.constant 208 : index
      %swap3A_320 = tpu.vector_load %arg5[%swap3A_318, %swap3A_319] {strides = array<i32>} : memref<64x256xf32, #tpu.memory_space<vmem>>, vector<1x16xf32>,
      %swap3A_321 = vector.shape_cast %swap3A_320 : vector<1x16xf32> to vector<16xf32>
      %swap3A_322 = vector.shape_cast %get3A_317 : vector<16xf32> to vector<1x16xf32>
      tpu.vector_store %arg5[%swap3A_318, %swap3A_319], %swap3A_322 {add = true, strides = array<i32>} : memref<64x256xf32, #tpu.memory_space<vmem>>, vector<1x16xf32>,
      %get3A_323 = arith.constant 0 : i32
      %get3A_324 = arith.constant 0 : i32
      %get3A_325 = arith.index_cast %get3A_323 : i32 to index
      %get3A_326 = arith.index_cast %get3A_324 : i32 to index
      %get3A_327 = arith.index_cast %scan3A_141 : i32 to index
      %get3A_328 = arith.constant 224 : index
      %get3A_329 = tpu.vector_load %arg4[%get3A_325, %get3A_326, %get3A_327, %get3A_328] {strides = array<i32>} : memref<2x2x64x256xf32, #tpu.memory_space<vmem>>, vector<1x1x1x16xf32>,
      %get3A_330 = vector.shape_cast %get3A_329 : vector<1x1x1x16xf32> to vector<16xf32>
      %swap3A_331 = arith.index_cast %scan3A_141 : i32 to index
      %swap3A_332 = arith.constant 224 : index
      %swap3A_333 = tpu.vector_load %arg5[%swap3A_331, %swap3A_332] {strides = array<i32>} : memref<64x256xf32, #tpu.memory_space<vmem>>, vector<1x16xf32>,
      %swap3A_334 = vector.shape_cast %swap3A_333 : vector<1x16xf32> to vector<16xf32>
      %swap3A_335 = vector.shape_cast %get3A_330 : vector<16xf32> to vector<1x16xf32>
      tpu.vector_store %arg5[%swap3A_331, %swap3A_332], %swap3A_335 {add = true, strides = array<i32>} : memref<64x256xf32, #tpu.memory_space<vmem>>, vector<1x16xf32>,
      %get3A_336 = arith.constant 0 : i32
      %get3A_337 = arith.constant 0 : i32
      %get3A_338 = arith.index_cast %get3A_336 : i32 to index
      %get3A_339 = arith.index_cast %get3A_337 : i32 to index
      %get3A_340 = arith.index_cast %scan3A_141 : i32 to index
      %get3A_341 = arith.constant 240 : index
      %get3A_342 = tpu.vector_load %arg4[%get3A_338, %get3A_339, %get3A_340, %get3A_341] {strides = array<i32>} : memref<2x2x64x256xf32, #tpu.memory_space<vmem>>, vector<1x1x1x16xf32>,
      %get3A_343 = vector.shape_cast %get3A_342 : vector<1x1x1x16xf32> to vector<16xf32>
      %swap3A_344 = arith.index_cast %scan3A_141 : i32 to index
      %swap3A_345 = arith.constant 240 : index
      %swap3A_346 = tpu.vector_load %arg5[%swap3A_344, %swap3A_345] {strides = array<i32>} : memref<64x256xf32, #tpu.memory_space<vmem>>, vector<1x16xf32>,
      %swap3A_347 = vector.shape_cast %swap3A_346 : vector<1x16xf32> to vector<16xf32>
      %swap3A_348 = vector.shape_cast %get3A_343 : vector<16xf32> to vector<1x16xf32>
      tpu.vector_store %arg5[%swap3A_344, %swap3A_345], %swap3A_348 {add = true, strides = array<i32>} : memref<64x256xf32, #tpu.memory_space<vmem>>, vector<1x16xf32>,
      %get3A_349 = arith.constant 0 : i32
      %get3A_350 = arith.constant 1 : i32
      %get3A_351 = arith.index_cast %get3A_349 : i32 to index
      %get3A_352 = arith.index_cast %get3A_350 : i32 to index
      %get3A_353 = arith.index_cast %scan3A_141 : i32 to index
      %get3A_354 = arith.constant 0 : index
      %get3A_355 = tpu.vector_load %arg4[%get3A_351, %get3A_352, %get3A_353, %get3A_354] {strides = array<i32>} : memref<2x2x64x256xf32, #tpu.memory_space<vmem>>, vector<1x1x1x16xf32>,
      %get3A_356 = vector.shape_cast %get3A_355 : vector<1x1x1x16xf32> to vector<16xf32>
      %swap3A_357 = arith.index_cast %scan3A_141 : i32 to index
      %swap3A_358 = arith.constant 0 : index
      %swap3A_359 = tpu.vector_load %arg5[%swap3A_357, %swap3A_358] {strides = array<i32>} : memref<64x256xf32, #tpu.memory_space<vmem>>, vector<1x16xf32>,
      %swap3A_360 = vector.shape_cast %swap3A_359 : vector<1x16xf32> to vector<16xf32>
      %swap3A_361 = vector.shape_cast %get3A_356 : vector<16xf32> to vector<1x16xf32>
      tpu.vector_store %arg5[%swap3A_357, %swap3A_358], %swap3A_361 {add = true, strides = array<i32>} : memref<64x256xf32, #tpu.memory_space<vmem>>, vector<1x16xf32>,
      %get3A_362 = arith.constant 0 : i32
      %get3A_363 = arith.constant 1 : i32
      %get3A_364 = arith.index_cast %get3A_362 : i32 to index
      %get3A_365 = arith.index_cast %get3A_363 : i32 to index
      %get3A_366 = arith.index_cast %scan3A_141 : i32 to index
      %get3A_367 = arith.constant 16 : index
      %get3A_368 = tpu.vector_load %arg4[%get3A_364, %get3A_365, %get3A_366, %get3A_367] {strides = array<i32>} : memref<2x2x64x256xf32, #tpu.memory_space<vmem>>, vector<1x1x1x16xf32>,
      %get3A_369 = vector.shape_cast %get3A_368 : vector<1x1x1x16xf32> to vector<16xf32>
      %swap3A_370 = arith.index_cast %scan3A_141 : i32 to index
      %swap3A_371 = arith.constant 16 : index
      %swap3A_372 = tpu.vector_load %arg5[%swap3A_370, %swap3A_371] {strides = array<i32>} : memref<64x256xf32, #tpu.memory_space<vmem>>, vector<1x16xf32>,
      %swap3A_373 = vector.shape_cast %swap3A_372 : vector<1x16xf32> to vector<16xf32>
      %swap3A_374 = vector.shape_cast %get3A_369 : vector<16xf32> to vector<1x16xf32>
      tpu.vector_store %arg5[%swap3A_370, %swap3A_371], %swap3A_374 {add = true, strides = array<i32>} : memref<64x256xf32, #tpu.memory_space<vmem>>, vector<1x16xf32>,
      %get3A_375 = arith.constant 0 : i32
      %get3A_376 = arith.constant 1 : i32
      %get3A_377 = arith.index_cast %get3A_375 : i32 to index
      %get3A_378 = arith.index_cast %get3A_376 : i32 to index
      %get3A_379 = arith.index_cast %scan3A_141 : i32 to index
      %get3A_380 = arith.constant 32 : index
      %get3A_381 = tpu.vector_load %arg4[%get3A_377, %get3A_378, %get3A_379, %get3A_380] {strides = array<i32>} : memref<2x2x64x256xf32, #tpu.memory_space<vmem>>, vector<1x1x1x16xf32>,
      %get3A_382 = vector.shape_cast %get3A_381 : vector<1x1x1x16xf32> to vector<16xf32>
      %swap3A_383 = arith.index_cast %scan3A_141 : i32 to index
      %swap3A_384 = arith.constant 32 : index
      %swap3A_385 = tpu.vector_load %arg5[%swap3A_383, %swap3A_384] {strides = array<i32>} : memref<64x256xf32, #tpu.memory_space<vmem>>, vector<1x16xf32>,
      %swap3A_386 = vector.shape_cast %swap3A_385 : vector<1x16xf32> to vector<16xf32>
      %swap3A_387 = vector.shape_cast %get3A_382 : vector<16xf32> to vector<1x16xf32>
      tpu.vector_store %arg5[%swap3A_383, %swap3A_384], %swap3A_387 {add = true, strides = array<i32>} : memref<64x256xf32, #tpu.memory_space<vmem>>, vector<1x16xf32>,
      %get3A_388 = arith.constant 0 : i32
      %get3A_389 = arith.constant 1 : i32
      %get3A_390 = arith.index_cast %get3A_388 : i32 to index
      %get3A_391 = arith.index_cast %get3A_389 : i32 to index
      %get3A_392 = arith.index_cast %scan3A_141 : i32 to index
      %get3A_393 = arith.constant 48 : index
      %get3A_394 = tpu.vector_load %arg4[%get3A_390, %get3A_391, %get3A_392, %get3A_393] {strides = array<i32>} : memref<2x2x64x256xf32, #tpu.memory_space<vmem>>, vector<1x1x1x16xf32>,
      %get3A_395 = vector.shape_cast %get3A_394 : vector<1x1x1x16xf32> to vector<16xf32>
      %swap3A_396 = arith.index_cast %scan3A_141 : i32 to index
      %swap3A_397 = arith.constant 48 : index
      %swap3A_398 = tpu.vector_load %arg5[%swap3A_396, %swap3A_397] {strides = array<i32>} : memref<64x256xf32, #tpu.memory_space<vmem>>, vector<1x16xf32>,
      %swap3A_399 = vector.shape_cast %swap3A_398 : vector<1x16xf32> to vector<16xf32>
      %swap3A_400 = vector.shape_cast %get3A_395 : vector<16xf32> to vector<1x16xf32>
      tpu.vector_store %arg5[%swap3A_396, %swap3A_397], %swap3A_400 {add = true, strides = array<i32>} : memref<64x256xf32, #tpu.memory_space<vmem>>, vector<1x16xf32>,
      %get3A_401 = arith.constant 0 : i32
      %get3A_402 = arith.constant 1 : i32
      %get3A_403 = arith.index_cast %get3A_401 : i32 to index
      %get3A_404 = arith.index_cast %get3A_402 : i32 to index
      %get3A_405 = arith.index_cast %scan3A_141 : i32 to index
      %get3A_406 = arith.constant 64 : index
      %get3A_407 = tpu.vector_load %arg4[%get3A_403, %get3A_404, %get3A_405, %get3A_406] {strides = array<i32>} : memref<2x2x64x256xf32, #tpu.memory_space<vmem>>, vector<1x1x1x16xf32>,
      %get3A_408 = vector.shape_cast %get3A_407 : vector<1x1x1x16xf32> to vector<16xf32>
      %swap3A_409 = arith.index_cast %scan3A_141 : i32 to index
      %swap3A_410 = arith.constant 64 : index
      %swap3A_411 = tpu.vector_load %arg5[%swap3A_409, %swap3A_410] {strides = array<i32>} : memref<64x256xf32, #tpu.memory_space<vmem>>, vector<1x16xf32>,
      %swap3A_412 = vector.shape_cast %swap3A_411 : vector<1x16xf32> to vector<16xf32>
      %swap3A_413 = vector.shape_cast %get3A_408 : vector<16xf32> to vector<1x16xf32>
      tpu.vector_store %arg5[%swap3A_409, %swap3A_410], %swap3A_413 {add = true, strides = array<i32>} : memref<64x256xf32, #tpu.memory_space<vmem>>, vector<1x16xf32>,
      %get3A_414 = arith.constant 0 : i32
      %get3A_415 = arith.constant 1 : i32
      %get3A_416 = arith.index_cast %get3A_414 : i32 to index
      %get3A_417 = arith.index_cast %get3A_415 : i32 to index
      %get3A_418 = arith.index_cast %scan3A_141 : i32 to index
      %get3A_419 = arith.constant 80 : index
      %get3A_420 = tpu.vector_load %arg4[%get3A_416, %get3A_417, %get3A_418, %get3A_419] {strides = array<i32>} : memref<2x2x64x256xf32, #tpu.memory_space<vmem>>, vector<1x1x1x16xf32>,
      %get3A_421 = vector.shape_cast %get3A_420 : vector<1x1x1x16xf32> to vector<16xf32>
      %swap3A_422 = arith.index_cast %scan3A_141 : i32 to index
      %swap3A_423 = arith.constant 80 : index
      %swap3A_424 = tpu.vector_load %arg5[%swap3A_422, %swap3A_423] {strides = array<i32>} : memref<64x256xf32, #tpu.memory_space<vmem>>, vector<1x16xf32>,
      %swap3A_425 = vector.shape_cast %swap3A_424 : vector<1x16xf32> to vector<16xf32>
      %swap3A_426 = vector.shape_cast %get3A_421 : vector<16xf32> to vector<1x16xf32>
      tpu.vector_store %arg5[%swap3A_422, %swap3A_423], %swap3A_426 {add = true, strides = array<i32>} : memref<64x256xf32, #tpu.memory_space<vmem>>, vector<1x16xf32>,
      %get3A_427 = arith.constant 0 : i32
      %get3A_428 = arith.constant 1 : i32
      %get3A_429 = arith.index_cast %get3A_427 : i32 to index
      %get3A_430 = arith.index_cast %get3A_428 : i32 to index
      %get3A_431 = arith.index_cast %scan3A_141 : i32 to index
      %get3A_432 = arith.constant 96 : index
      %get3A_433 = tpu.vector_load %arg4[%get3A_429, %get3A_430, %get3A_431, %get3A_432] {strides = array<i32>} : memref<2x2x64x256xf32, #tpu.memory_space<vmem>>, vector<1x1x1x16xf32>,
      %get3A_434 = vector.shape_cast %get3A_433 : vector<1x1x1x16xf32> to vector<16xf32>
      %swap3A_435 = arith.index_cast %scan3A_141 : i32 to index
      %swap3A_436 = arith.constant 96 : index
      %swap3A_437 = tpu.vector_load %arg5[%swap3A_435, %swap3A_436] {strides = array<i32>} : memref<64x256xf32, #tpu.memory_space<vmem>>, vector<1x16xf32>,
      %swap3A_438 = vector.shape_cast %swap3A_437 : vector<1x16xf32> to vector<16xf32>
      %swap3A_439 = vector.shape_cast %get3A_434 : vector<16xf32> to vector<1x16xf32>
      tpu.vector_store %arg5[%swap3A_435, %swap3A_436], %swap3A_439 {add = true, strides = array<i32>} : memref<64x256xf32, #tpu.memory_space<vmem>>, vector<1x16xf32>,
      %get3A_440 = arith.constant 0 : i32
      %get3A_441 = arith.constant 1 : i32
      %get3A_442 = arith.index_cast %get3A_440 : i32 to index
      %get3A_443 = arith.index_cast %get3A_441 : i32 to index
      %get3A_444 = arith.index_cast %scan3A_141 : i32 to index
      %get3A_445 = arith.constant 112 : index
      %get3A_446 = tpu.vector_load %arg4[%get3A_442, %get3A_443, %get3A_444, %get3A_445] {strides = array<i32>} : memref<2x2x64x256xf32, #tpu.memory_space<vmem>>, vector<1x1x1x16xf32>,
      %get3A_447 = vector.shape_cast %get3A_446 : vector<1x1x1x16xf32> to vector<16xf32>
      %swap3A_448 = arith.index_cast %scan3A_141 : i32 to index
      %swap3A_449 = arith.constant 112 : index
      %swap3A_450 = tpu.vector_load %arg5[%swap3A_448, %swap3A_449] {strides = array<i32>} : memref<64x256xf32, #tpu.memory_space<vmem>>, vector<1x16xf32>,
      %swap3A_451 = vector.shape_cast %swap3A_450 : vector<1x16xf32> to vector<16xf32>
      %swap3A_452 = vector.shape_cast %get3A_447 : vector<16xf32> to vector<1x16xf32>
      tpu.vector_store %arg5[%swap3A_448, %swap3A_449], %swap3A_452 {add = true, strides = array<i32>} : memref<64x256xf32, #tpu.memory_space<vmem>>, vector<1x16xf32>,
      %get3A_453 = arith.constant 0 : i32
      %get3A_454 = arith.constant 1 : i32
      %get3A_455 = arith.index_cast %get3A_453 : i32 to index
      %get3A_456 = arith.index_cast %get3A_454 : i32 to index
      %get3A_457 = arith.index_cast %scan3A_141 : i32 to index
      %get3A_458 = arith.constant 128 : index
      %get3A_459 = tpu.vector_load %arg4[%get3A_455, %get3A_456, %get3A_457, %get3A_458] {strides = array<i32>} : memref<2x2x64x256xf32, #tpu.memory_space<vmem>>, vector<1x1x1x16xf32>,
      %get3A_460 = vector.shape_cast %get3A_459 : vector<1x1x1x16xf32> to vector<16xf32>
      %swap3A_461 = arith.index_cast %scan3A_141 : i32 to index
      %swap3A_462 = arith.constant 128 : index
      %swap3A_463 = tpu.vector_load %arg5[%swap3A_461, %swap3A_462] {strides = array<i32>} : memref<64x256xf32, #tpu.memory_space<vmem>>, vector<1x16xf32>,
      %swap3A_464 = vector.shape_cast %swap3A_463 : vector<1x16xf32> to vector<16xf32>
      %swap3A_465 = vector.shape_cast %get3A_460 : vector<16xf32> to vector<1x16xf32>
      tpu.vector_store %arg5[%swap3A_461, %swap3A_462], %swap3A_465 {add = true, strides = array<i32>} : memref<64x256xf32, #tpu.memory_space<vmem>>, vector<1x16xf32>,
      %get3A_466 = arith.constant 0 : i32
      %get3A_467 = arith.constant 1 : i32
      %get3A_468 = arith.index_cast %get3A_466 : i32 to index
      %get3A_469 = arith.index_cast %get3A_467 : i32 to index
      %get3A_470 = arith.index_cast %scan3A_141 : i32 to index
      %get3A_471 = arith.constant 144 : index
      %get3A_472 = tpu.vector_load %arg4[%get3A_468, %get3A_469, %get3A_470, %get3A_471] {strides = array<i32>} : memref<2x2x64x256xf32, #tpu.memory_space<vmem>>, vector<1x1x1x16xf32>,
      %get3A_473 = vector.shape_cast %get3A_472 : vector<1x1x1x16xf32> to vector<16xf32>
      %swap3A_474 = arith.index_cast %scan3A_141 : i32 to index
      %swap3A_475 = arith.constant 144 : index
      %swap3A_476 = tpu.vector_load %arg5[%swap3A_474, %swap3A_475] {strides = array<i32>} : memref<64x256xf32, #tpu.memory_space<vmem>>, vector<1x16xf32>,
      %swap3A_477 = vector.shape_cast %swap3A_476 : vector<1x16xf32> to vector<16xf32>
      %swap3A_478 = vector.shape_cast %get3A_473 : vector<16xf32> to vector<1x16xf32>
      tpu.vector_store %arg5[%swap3A_474, %swap3A_475], %swap3A_478 {add = true, strides = array<i32>} : memref<64x256xf32, #tpu.memory_space<vmem>>, vector<1x16xf32>,
      %get3A_479 = arith.constant 0 : i32
      %get3A_480 = arith.constant 1 : i32
      %get3A_481 = arith.index_cast %get3A_479 : i32 to index
      %get3A_482 = arith.index_cast %get3A_480 : i32 to index
      %get3A_483 = arith.index_cast %scan3A_141 : i32 to index
      %get3A_484 = arith.constant 160 : index
      %get3A_485 = tpu.vector_load %arg4[%get3A_481, %get3A_482, %get3A_483, %get3A_484] {strides = array<i32>} : memref<2x2x64x256xf32, #tpu.memory_space<vmem>>, vector<1x1x1x16xf32>,
      %get3A_486 = vector.shape_cast %get3A_485 : vector<1x1x1x16xf32> to vector<16xf32>
      %swap3A_487 = arith.index_cast %scan3A_141 : i32 to index
      %swap3A_488 = arith.constant 160 : index
      %swap3A_489 = tpu.vector_load %arg5[%swap3A_487, %swap3A_488] {strides = array<i32>} : memref<64x256xf32, #tpu.memory_space<vmem>>, vector<1x16xf32>,
      %swap3A_490 = vector.shape_cast %swap3A_489 : vector<1x16xf32> to vector<16xf32>
      %swap3A_491 = vector.shape_cast %get3A_486 : vector<16xf32> to vector<1x16xf32>
      tpu.vector_store %arg5[%swap3A_487, %swap3A_488], %swap3A_491 {add = true, strides = array<i32>} : memref<64x256xf32, #tpu.memory_space<vmem>>, vector<1x16xf32>,
      %get3A_492 = arith.constant 0 : i32
      %get3A_493 = arith.constant 1 : i32
      %get3A_494 = arith.index_cast %get3A_492 : i32 to index
      %get3A_495 = arith.index_cast %get3A_493 : i32 to index
      %get3A_496 = arith.index_cast %scan3A_141 : i32 to index
      %get3A_497 = arith.constant 176 : index
      %get3A_498 = tpu.vector_load %arg4[%get3A_494, %get3A_495, %get3A_496, %get3A_497] {strides = array<i32>} : memref<2x2x64x256xf32, #tpu.memory_space<vmem>>, vector<1x1x1x16xf32>,
      %get3A_499 = vector.shape_cast %get3A_498 : vector<1x1x1x16xf32> to vector<16xf32>
      %swap3A_500 = arith.index_cast %scan3A_141 : i32 to index
      %swap3A_501 = arith.constant 176 : index
      %swap3A_502 = tpu.vector_load %arg5[%swap3A_500, %swap3A_501] {strides = array<i32>} : memref<64x256xf32, #tpu.memory_space<vmem>>, vector<1x16xf32>,
      %swap3A_503 = vector.shape_cast %swap3A_502 : vector<1x16xf32> to vector<16xf32>
      %swap3A_504 = vector.shape_cast %get3A_499 : vector<16xf32> to vector<1x16xf32>
      tpu.vector_store %arg5[%swap3A_500, %swap3A_501], %swap3A_504 {add = true, strides = array<i32>} : memref<64x256xf32, #tpu.memory_space<vmem>>, vector<1x16xf32>,
      %get3A_505 = arith.constant 0 : i32
      %get3A_506 = arith.constant 1 : i32
      %get3A_507 = arith.index_cast %get3A_505 : i32 to index
      %get3A_508 = arith.index_cast %get3A_506 : i32 to index
      %get3A_509 = arith.index_cast %scan3A_141 : i32 to index
      %get3A_510 = arith.constant 192 : index
      %get3A_511 = tpu.vector_load %arg4[%get3A_507, %get3A_508, %get3A_509, %get3A_510] {strides = array<i32>} : memref<2x2x64x256xf32, #tpu.memory_space<vmem>>, vector<1x1x1x16xf32>,
      %get3A_512 = vector.shape_cast %get3A_511 : vector<1x1x1x16xf32> to vector<16xf32>
      %swap3A_513 = arith.index_cast %scan3A_141 : i32 to index
      %swap3A_514 = arith.constant 192 : index
      %swap3A_515 = tpu.vector_load %arg5[%swap3A_513, %swap3A_514] {strides = array<i32>} : memref<64x256xf32, #tpu.memory_space<vmem>>, vector<1x16xf32>,
      %swap3A_516 = vector.shape_cast %swap3A_515 : vector<1x16xf32> to vector<16xf32>
      %swap3A_517 = vector.shape_cast %get3A_512 : vector<16xf32> to vector<1x16xf32>
      tpu.vector_store %arg5[%swap3A_513, %swap3A_514], %swap3A_517 {add = true, strides = array<i32>} : memref<64x256xf32, #tpu.memory_space<vmem>>, vector<1x16xf32>,
      %get3A_518 = arith.constant 0 : i32
      %get3A_519 = arith.constant 1 : i32
      %get3A_520 = arith.index_cast %get3A_518 : i32 to index
      %get3A_521 = arith.index_cast %get3A_519 : i32 to index
      %get3A_522 = arith.index_cast %scan3A_141 : i32 to index
      %get3A_523 = arith.constant 208 : index
      %get3A_524 = tpu.vector_load %arg4[%get3A_520, %get3A_521, %get3A_522, %get3A_523] {strides = array<i32>} : memref<2x2x64x256xf32, #tpu.memory_space<vmem>>, vector<1x1x1x16xf32>,
      %get3A_525 = vector.shape_cast %get3A_524 : vector<1x1x1x16xf32> to vector<16xf32>
      %swap3A_526 = arith.index_cast %scan3A_141 : i32 to index
      %swap3A_527 = arith.constant 208 : index
      %swap3A_528 = tpu.vector_load %arg5[%swap3A_526, %swap3A_527] {strides = array<i32>} : memref<64x256xf32, #tpu.memory_space<vmem>>, vector<1x16xf32>,
      %swap3A_529 = vector.shape_cast %swap3A_528 : vector<1x16xf32> to vector<16xf32>
      %swap3A_530 = vector.shape_cast %get3A_525 : vector<16xf32> to vector<1x16xf32>
      tpu.vector_store %arg5[%swap3A_526, %swap3A_527], %swap3A_530 {add = true, strides = array<i32>} : memref<64x256xf32, #tpu.memory_space<vmem>>, vector<1x16xf32>,
      %get3A_531 = arith.constant 0 : i32
      %get3A_532 = arith.constant 1 : i32
      %get3A_533 = arith.index_cast %get3A_531 : i32 to index
      %get3A_534 = arith.index_cast %get3A_532 : i32 to index
      %get3A_535 = arith.index_cast %scan3A_141 : i32 to index
      %get3A_536 = arith.constant 224 : index
      %get3A_537 = tpu.vector_load %arg4[%get3A_533, %get3A_534, %get3A_535, %get3A_536] {strides = array<i32>} : memref<2x2x64x256xf32, #tpu.memory_space<vmem>>, vector<1x1x1x16xf32>,
      %get3A_538 = vector.shape_cast %get3A_537 : vector<1x1x1x16xf32> to vector<16xf32>
      %swap3A_539 = arith.index_cast %scan3A_141 : i32 to index
      %swap3A_540 = arith.constant 224 : index
      %swap3A_541 = tpu.vector_load %arg5[%swap3A_539, %swap3A_540] {strides = array<i32>} : memref<64x256xf32, #tpu.memory_space<vmem>>, vector<1x16xf32>,
      %swap3A_542 = vector.shape_cast %swap3A_541 : vector<1x16xf32> to vector<16xf32>
      %swap3A_543 = vector.shape_cast %get3A_538 : vector<16xf32> to vector<1x16xf32>
      tpu.vector_store %arg5[%swap3A_539, %swap3A_540], %swap3A_543 {add = true, strides = array<i32>} : memref<64x256xf32, #tpu.memory_space<vmem>>, vector<1x16xf32>,
      %get3A_544 = arith.constant 0 : i32
      %get3A_545 = arith.constant 1 : i32
      %get3A_546 = arith.index_cast %get3A_544 : i32 to index
      %get3A_547 = arith.index_cast %get3A_545 : i32 to index
      %get3A_548 = arith.index_cast %scan3A_141 : i32 to index
      %get3A_549 = arith.constant 240 : index
      %get3A_550 = tpu.vector_load %arg4[%get3A_546, %get3A_547, %get3A_548, %get3A_549] {strides = array<i32>} : memref<2x2x64x256xf32, #tpu.memory_space<vmem>>, vector<1x1x1x16xf32>,
      %get3A_551 = vector.shape_cast %get3A_550 : vector<1x1x1x16xf32> to vector<16xf32>
      %swap3A_552 = arith.index_cast %scan3A_141 : i32 to index
      %swap3A_553 = arith.constant 240 : index
      %swap3A_554 = tpu.vector_load %arg5[%swap3A_552, %swap3A_553] {strides = array<i32>} : memref<64x256xf32, #tpu.memory_space<vmem>>, vector<1x16xf32>,
      %swap3A_555 = vector.shape_cast %swap3A_554 : vector<1x16xf32> to vector<16xf32>
      %swap3A_556 = vector.shape_cast %get3A_551 : vector<16xf32> to vector<1x16xf32>
      tpu.vector_store %arg5[%swap3A_552, %swap3A_553], %swap3A_556 {add = true, strides = array<i32>} : memref<64x256xf32, #tpu.memory_space<vmem>>, vector<1x16xf32>,
      %scan3A_557 = arith.constant 0 : i32
      scf.yield %scan3A_557 : i32
    }
    %scan3A_105 = arith.constant 64 : i32
    %dma_wait3A_106 = arith.constant 1 : i32
    %dma_wait3A_107 = arith.constant 0 : i32
    %dma_wait3A_108 = arith.constant 0 : i32
    %dma_wait3A_109 = arith.constant 0 : i32
    %dma_wait3A_110 = tpu.memref_slice %arg4[%dma_wait3A_106, %dma_wait3A_107, %dma_wait3A_108, %dma_wait3A_109] : memref<2x2x64x256xf32, #tpu.memory_space<vmem>> -> memref<1x2x64x256xf32, #tpu.memory_space<vmem>>
    %dma_wait3A_111 = tpu.memref_squeeze %dma_wait3A_110 : memref<1x2x64x256xf32, #tpu.memory_space<vmem>> -> memref<2x64x256xf32, #tpu.memory_space<vmem>>
    %dma_wait3A_112 = arith.constant 0 : i32
    %dma_wait3A_113 = arith.constant 0 : i32
    %dma_wait3A_114 = tpu.memref_slice %arg2[%add3A_18, %add3A_79, %dma_wait3A_112, %dma_wait3A_113] : memref<32x64x64x256xf32, #tpu.memory_space<hbm>> -> memref<1x2x64x256xf32, #tpu.memory_space<hbm>>
    %dma_wait3A_115 = tpu.memref_squeeze %dma_wait3A_114 : memref<1x2x64x256xf32, #tpu.memory_space<hbm>> -> memref<2x64x256xf32, #tpu.memory_space<hbm>>
    %dma_wait3A_116 = arith.constant 0 : i32
    %dma_wait3A_117 = arith.constant 0 : i32
    %dma_wait3A_118 = arith.constant 0 : i32
    %dma_wait3A_119 = tpu.memref_slice %arg4[%dma_wait3A_106, %dma_wait3A_116, %dma_wait3A_117, %dma_wait3A_118] : memref<2x2x64x256xf32, #tpu.memory_space<vmem>> -> memref<1x2x64x256xf32, #tpu.memory_space<vmem>>
    %dma_wait3A_120 = tpu.memref_squeeze %dma_wait3A_119 : memref<1x2x64x256xf32, #tpu.memory_space<vmem>> -> memref<2x64x256xf32, #tpu.memory_space<vmem>>
    %dma_wait3A_121 = arith.constant 0 : i32
    %dma_wait3A_122 = arith.constant 0 : i32
    %dma_wait3A_123 = tpu.memref_slice %arg2[%add3A_18, %add3A_79, %dma_wait3A_121, %dma_wait3A_122] : memref<32x64x64x256xf32, #tpu.memory_space<hbm>> -> memref<1x2x64x256xf32, #tpu.memory_space<hbm>>
    %dma_wait3A_124 = tpu.memref_squeeze %dma_wait3A_123 : memref<1x2x64x256xf32, #tpu.memory_space<hbm>> -> memref<2x64x256xf32, #tpu.memory_space<hbm>>
    tpu.wait_dma2 semaphore(%arg7 : memref<!tpu.dma_semaphore, #tpu.memory_space<semaphore_mem>>) src(%dma_wait3A_124 : memref<2x64x256xf32, #tpu.memory_space<hbm>>) dst(%dma_wait3A_120 : memref<2x64x256xf32, #tpu.memory_space<vmem>>)
    %scan3A_125 = arith.constant 0 : i32
    %scan3A_126 = arith.constant 0 : i32
    %scan3A_127 = arith.constant 64 : i32
    %scan3A_128 = arith.addi %scan3A_126, %scan3A_127 : i32
    %scan3A_129 = arith.constant 1 : i32
    %scan3A_130 = scf.for %scan3A_141 = %scan3A_126 to %scan3A_128 step %scan3A_129 iter_args(%scan3A_142 = %scan3A_125) -> (i32)  : i32 {
      %get3A = arith.constant 1 : i32
      %get3A_143 = arith.constant 0 : i32
      %get3A_144 = arith.index_cast %get3A : i32 to index
      %get3A_145 = arith.index_cast %get3A_143 : i32 to index
      %get3A_146 = arith.index_cast %scan3A_141 : i32 to index
      %get3A_147 = arith.constant 0 : index
      %get3A_148 = tpu.vector_load %arg4[%get3A_144, %get3A_145, %get3A_146, %get3A_147] {strides = array<i32>} : memref<2x2x64x256xf32, #tpu.memory_space<vmem>>, vector<1x1x1x16xf32>,
      %get3A_149 = vector.shape_cast %get3A_148 : vector<1x1x1x16xf32> to vector<16xf32>
      %swap3A = arith.index_cast %scan3A_141 : i32 to index
      %swap3A_150 = arith.constant 0 : index
      %swap3A_151 = tpu.vector_load %arg5[%swap3A, %swap3A_150] {strides = array<i32>} : memref<64x256xf32, #tpu.memory_space<vmem>>, vector<1x16xf32>,
      %swap3A_152 = vector.shape_cast %swap3A_151 : vector<1x16xf32> to vector<16xf32>
      %swap3A_153 = vector.shape_cast %get3A_149 : vector<16xf32> to vector<1x16xf32>
      tpu.vector_store %arg5[%swap3A, %swap3A_150], %swap3A_153 {add = true, strides = array<i32>} : memref<64x256xf32, #tpu.memory_space<vmem>>, vector<1x16xf32>,
      %get3A_154 = arith.constant 1 : i32
      %get3A_155 = arith.constant 0 : i32
      %get3A_156 = arith.index_cast %get3A_154 : i32 to index
      %get3A_157 = arith.index_cast %get3A_155 : i32 to index
      %get3A_158 = arith.index_cast %scan3A_141 : i32 to index
      %get3A_159 = arith.constant 16 : index
      %get3A_160 = tpu.vector_load %arg4[%get3A_156, %get3A_157, %get3A_158, %get3A_159] {strides = array<i32>} : memref<2x2x64x256xf32, #tpu.memory_space<vmem>>, vector<1x1x1x16xf32>,
      %get3A_161 = vector.shape_cast %get3A_160 : vector<1x1x1x16xf32> to vector<16xf32>
      %swap3A_162 = arith.index_cast %scan3A_141 : i32 to index
      %swap3A_163 = arith.constant 16 : index
      %swap3A_164 = tpu.vector_load %arg5[%swap3A_162, %swap3A_163] {strides = array<i32>} : memref<64x256xf32, #tpu.memory_space<vmem>>, vector<1x16xf32>,
      %swap3A_165 = vector.shape_cast %swap3A_164 : vector<1x16xf32> to vector<16xf32>
      %swap3A_166 = vector.shape_cast %get3A_161 : vector<16xf32> to vector<1x16xf32>
      tpu.vector_store %arg5[%swap3A_162, %swap3A_163], %swap3A_166 {add = true, strides = array<i32>} : memref<64x256xf32, #tpu.memory_space<vmem>>, vector<1x16xf32>,
      %get3A_167 = arith.constant 1 : i32
      %get3A_168 = arith.constant 0 : i32
      %get3A_169 = arith.index_cast %get3A_167 : i32 to index
      %get3A_170 = arith.index_cast %get3A_168 : i32 to index
      %get3A_171 = arith.index_cast %scan3A_141 : i32 to index
      %get3A_172 = arith.constant 32 : index
      %get3A_173 = tpu.vector_load %arg4[%get3A_169, %get3A_170, %get3A_171, %get3A_172] {strides = array<i32>} : memref<2x2x64x256xf32, #tpu.memory_space<vmem>>, vector<1x1x1x16xf32>,
      %get3A_174 = vector.shape_cast %get3A_173 : vector<1x1x1x16xf32> to vector<16xf32>
      %swap3A_175 = arith.index_cast %scan3A_141 : i32 to index
      %swap3A_176 = arith.constant 32 : index
      %swap3A_177 = tpu.vector_load %arg5[%swap3A_175, %swap3A_176] {strides = array<i32>} : memref<64x256xf32, #tpu.memory_space<vmem>>, vector<1x16xf32>,
      %swap3A_178 = vector.shape_cast %swap3A_177 : vector<1x16xf32> to vector<16xf32>
      %swap3A_179 = vector.shape_cast %get3A_174 : vector<16xf32> to vector<1x16xf32>
      tpu.vector_store %arg5[%swap3A_175, %swap3A_176], %swap3A_179 {add = true, strides = array<i32>} : memref<64x256xf32, #tpu.memory_space<vmem>>, vector<1x16xf32>,
      %get3A_180 = arith.constant 1 : i32
      %get3A_181 = arith.constant 0 : i32
      %get3A_182 = arith.index_cast %get3A_180 : i32 to index
      %get3A_183 = arith.index_cast %get3A_181 : i32 to index
      %get3A_184 = arith.index_cast %scan3A_141 : i32 to index
      %get3A_185 = arith.constant 48 : index
      %get3A_186 = tpu.vector_load %arg4[%get3A_182, %get3A_183, %get3A_184, %get3A_185] {strides = array<i32>} : memref<2x2x64x256xf32, #tpu.memory_space<vmem>>, vector<1x1x1x16xf32>,
      %get3A_187 = vector.shape_cast %get3A_186 : vector<1x1x1x16xf32> to vector<16xf32>
      %swap3A_188 = arith.index_cast %scan3A_141 : i32 to index
      %swap3A_189 = arith.constant 48 : index
      %swap3A_190 = tpu.vector_load %arg5[%swap3A_188, %swap3A_189] {strides = array<i32>} : memref<64x256xf32, #tpu.memory_space<vmem>>, vector<1x16xf32>,
      %swap3A_191 = vector.shape_cast %swap3A_190 : vector<1x16xf32> to vector<16xf32>
      %swap3A_192 = vector.shape_cast %get3A_187 : vector<16xf32> to vector<1x16xf32>
      tpu.vector_store %arg5[%swap3A_188, %swap3A_189], %swap3A_192 {add = true, strides = array<i32>} : memref<64x256xf32, #tpu.memory_space<vmem>>, vector<1x16xf32>,
      %get3A_193 = arith.constant 1 : i32
      %get3A_194 = arith.constant 0 : i32
      %get3A_195 = arith.index_cast %get3A_193 : i32 to index
      %get3A_196 = arith.index_cast %get3A_194 : i32 to index
      %get3A_197 = arith.index_cast %scan3A_141 : i32 to index
      %get3A_198 = arith.constant 64 : index
      %get3A_199 = tpu.vector_load %arg4[%get3A_195, %get3A_196, %get3A_197, %get3A_198] {strides = array<i32>} : memref<2x2x64x256xf32, #tpu.memory_space<vmem>>, vector<1x1x1x16xf32>,
      %get3A_200 = vector.shape_cast %get3A_199 : vector<1x1x1x16xf32> to vector<16xf32>
      %swap3A_201 = arith.index_cast %scan3A_141 : i32 to index
      %swap3A_202 = arith.constant 64 : index
      %swap3A_203 = tpu.vector_load %arg5[%swap3A_201, %swap3A_202] {strides = array<i32>} : memref<64x256xf32, #tpu.memory_space<vmem>>, vector<1x16xf32>,
      %swap3A_204 = vector.shape_cast %swap3A_203 : vector<1x16xf32> to vector<16xf32>
      %swap3A_205 = vector.shape_cast %get3A_200 : vector<16xf32> to vector<1x16xf32>
      tpu.vector_store %arg5[%swap3A_201, %swap3A_202], %swap3A_205 {add = true, strides = array<i32>} : memref<64x256xf32, #tpu.memory_space<vmem>>, vector<1x16xf32>,
      %get3A_206 = arith.constant 1 : i32
      %get3A_207 = arith.constant 0 : i32
      %get3A_208 = arith.index_cast %get3A_206 : i32 to index
      %get3A_209 = arith.index_cast %get3A_207 : i32 to index
      %get3A_210 = arith.index_cast %scan3A_141 : i32 to index
      %get3A_211 = arith.constant 80 : index
      %get3A_212 = tpu.vector_load %arg4[%get3A_208, %get3A_209, %get3A_210, %get3A_211] {strides = array<i32>} : memref<2x2x64x256xf32, #tpu.memory_space<vmem>>, vector<1x1x1x16xf32>,
      %get3A_213 = vector.shape_cast %get3A_212 : vector<1x1x1x16xf32> to vector<16xf32>
      %swap3A_214 = arith.index_cast %scan3A_141 : i32 to index
      %swap3A_215 = arith.constant 80 : index
      %swap3A_216 = tpu.vector_load %arg5[%swap3A_214, %swap3A_215] {strides = array<i32>} : memref<64x256xf32, #tpu.memory_space<vmem>>, vector<1x16xf32>,
      %swap3A_217 = vector.shape_cast %swap3A_216 : vector<1x16xf32> to vector<16xf32>
      %swap3A_218 = vector.shape_cast %get3A_213 : vector<16xf32> to vector<1x16xf32>
      tpu.vector_store %arg5[%swap3A_214, %swap3A_215], %swap3A_218 {add = true, strides = array<i32>} : memref<64x256xf32, #tpu.memory_space<vmem>>, vector<1x16xf32>,
      %get3A_219 = arith.constant 1 : i32
      %get3A_220 = arith.constant 0 : i32
      %get3A_221 = arith.index_cast %get3A_219 : i32 to index
      %get3A_222 = arith.index_cast %get3A_220 : i32 to index
      %get3A_223 = arith.index_cast %scan3A_141 : i32 to index
      %get3A_224 = arith.constant 96 : index
      %get3A_225 = tpu.vector_load %arg4[%get3A_221, %get3A_222, %get3A_223, %get3A_224] {strides = array<i32>} : memref<2x2x64x256xf32, #tpu.memory_space<vmem>>, vector<1x1x1x16xf32>,
      %get3A_226 = vector.shape_cast %get3A_225 : vector<1x1x1x16xf32> to vector<16xf32>
      %swap3A_227 = arith.index_cast %scan3A_141 : i32 to index
      %swap3A_228 = arith.constant 96 : index
      %swap3A_229 = tpu.vector_load %arg5[%swap3A_227, %swap3A_228] {strides = array<i32>} : memref<64x256xf32, #tpu.memory_space<vmem>>, vector<1x16xf32>,
      %swap3A_230 = vector.shape_cast %swap3A_229 : vector<1x16xf32> to vector<16xf32>
      %swap3A_231 = vector.shape_cast %get3A_226 : vector<16xf32> to vector<1x16xf32>
      tpu.vector_store %arg5[%swap3A_227, %swap3A_228], %swap3A_231 {add = true, strides = array<i32>} : memref<64x256xf32, #tpu.memory_space<vmem>>, vector<1x16xf32>,
      %get3A_232 = arith.constant 1 : i32
      %get3A_233 = arith.constant 0 : i32
      %get3A_234 = arith.index_cast %get3A_232 : i32 to index
      %get3A_235 = arith.index_cast %get3A_233 : i32 to index
      %get3A_236 = arith.index_cast %scan3A_141 : i32 to index
      %get3A_237 = arith.constant 112 : index
      %get3A_238 = tpu.vector_load %arg4[%get3A_234, %get3A_235, %get3A_236, %get3A_237] {strides = array<i32>} : memref<2x2x64x256xf32, #tpu.memory_space<vmem>>, vector<1x1x1x16xf32>,
      %get3A_239 = vector.shape_cast %get3A_238 : vector<1x1x1x16xf32> to vector<16xf32>
      %swap3A_240 = arith.index_cast %scan3A_141 : i32 to index
      %swap3A_241 = arith.constant 112 : index
      %swap3A_242 = tpu.vector_load %arg5[%swap3A_240, %swap3A_241] {strides = array<i32>} : memref<64x256xf32, #tpu.memory_space<vmem>>, vector<1x16xf32>,
      %swap3A_243 = vector.shape_cast %swap3A_242 : vector<1x16xf32> to vector<16xf32>
      %swap3A_244 = vector.shape_cast %get3A_239 : vector<16xf32> to vector<1x16xf32>
      tpu.vector_store %arg5[%swap3A_240, %swap3A_241], %swap3A_244 {add = true, strides = array<i32>} : memref<64x256xf32, #tpu.memory_space<vmem>>, vector<1x16xf32>,
      %get3A_245 = arith.constant 1 : i32
      %get3A_246 = arith.constant 0 : i32
      %get3A_247 = arith.index_cast %get3A_245 : i32 to index
      %get3A_248 = arith.index_cast %get3A_246 : i32 to index
      %get3A_249 = arith.index_cast %scan3A_141 : i32 to index
      %get3A_250 = arith.constant 128 : index
      %get3A_251 = tpu.vector_load %arg4[%get3A_247, %get3A_248, %get3A_249, %get3A_250] {strides = array<i32>} : memref<2x2x64x256xf32, #tpu.memory_space<vmem>>, vector<1x1x1x16xf32>,
      %get3A_252 = vector.shape_cast %get3A_251 : vector<1x1x1x16xf32> to vector<16xf32>
      %swap3A_253 = arith.index_cast %scan3A_141 : i32 to index
      %swap3A_254 = arith.constant 128 : index
      %swap3A_255 = tpu.vector_load %arg5[%swap3A_253, %swap3A_254] {strides = array<i32>} : memref<64x256xf32, #tpu.memory_space<vmem>>, vector<1x16xf32>,
      %swap3A_256 = vector.shape_cast %swap3A_255 : vector<1x16xf32> to vector<16xf32>
      %swap3A_257 = vector.shape_cast %get3A_252 : vector<16xf32> to vector<1x16xf32>
      tpu.vector_store %arg5[%swap3A_253, %swap3A_254], %swap3A_257 {add = true, strides = array<i32>} : memref<64x256xf32, #tpu.memory_space<vmem>>, vector<1x16xf32>,
      %get3A_258 = arith.constant 1 : i32
      %get3A_259 = arith.constant 0 : i32
      %get3A_260 = arith.index_cast %get3A_258 : i32 to index
      %get3A_261 = arith.index_cast %get3A_259 : i32 to index
      %get3A_262 = arith.index_cast %scan3A_141 : i32 to index
      %get3A_263 = arith.constant 144 : index
      %get3A_264 = tpu.vector_load %arg4[%get3A_260, %get3A_261, %get3A_262, %get3A_263] {strides = array<i32>} : memref<2x2x64x256xf32, #tpu.memory_space<vmem>>, vector<1x1x1x16xf32>,
      %get3A_265 = vector.shape_cast %get3A_264 : vector<1x1x1x16xf32> to vector<16xf32>
      %swap3A_266 = arith.index_cast %scan3A_141 : i32 to index
      %swap3A_267 = arith.constant 144 : index
      %swap3A_268 = tpu.vector_load %arg5[%swap3A_266, %swap3A_267] {strides = array<i32>} : memref<64x256xf32, #tpu.memory_space<vmem>>, vector<1x16xf32>,
      %swap3A_269 = vector.shape_cast %swap3A_268 : vector<1x16xf32> to vector<16xf32>
      %swap3A_270 = vector.shape_cast %get3A_265 : vector<16xf32> to vector<1x16xf32>
      tpu.vector_store %arg5[%swap3A_266, %swap3A_267], %swap3A_270 {add = true, strides = array<i32>} : memref<64x256xf32, #tpu.memory_space<vmem>>, vector<1x16xf32>,
      %get3A_271 = arith.constant 1 : i32
      %get3A_272 = arith.constant 0 : i32
      %get3A_273 = arith.index_cast %get3A_271 : i32 to index
      %get3A_274 = arith.index_cast %get3A_272 : i32 to index
      %get3A_275 = arith.index_cast %scan3A_141 : i32 to index
      %get3A_276 = arith.constant 160 : index
      %get3A_277 = tpu.vector_load %arg4[%get3A_273, %get3A_274, %get3A_275, %get3A_276] {strides = array<i32>} : memref<2x2x64x256xf32, #tpu.memory_space<vmem>>, vector<1x1x1x16xf32>,
      %get3A_278 = vector.shape_cast %get3A_277 : vector<1x1x1x16xf32> to vector<16xf32>
      %swap3A_279 = arith.index_cast %scan3A_141 : i32 to index
      %swap3A_280 = arith.constant 160 : index
      %swap3A_281 = tpu.vector_load %arg5[%swap3A_279, %swap3A_280] {strides = array<i32>} : memref<64x256xf32, #tpu.memory_space<vmem>>, vector<1x16xf32>,
      %swap3A_282 = vector.shape_cast %swap3A_281 : vector<1x16xf32> to vector<16xf32>
      %swap3A_283 = vector.shape_cast %get3A_278 : vector<16xf32> to vector<1x16xf32>
      tpu.vector_store %arg5[%swap3A_279, %swap3A_280], %swap3A_283 {add = true, strides = array<i32>} : memref<64x256xf32, #tpu.memory_space<vmem>>, vector<1x16xf32>,
      %get3A_284 = arith.constant 1 : i32
      %get3A_285 = arith.constant 0 : i32
      %get3A_286 = arith.index_cast %get3A_284 : i32 to index
      %get3A_287 = arith.index_cast %get3A_285 : i32 to index
      %get3A_288 = arith.index_cast %scan3A_141 : i32 to index
      %get3A_289 = arith.constant 176 : index
      %get3A_290 = tpu.vector_load %arg4[%get3A_286, %get3A_287, %get3A_288, %get3A_289] {strides = array<i32>} : memref<2x2x64x256xf32, #tpu.memory_space<vmem>>, vector<1x1x1x16xf32>,
      %get3A_291 = vector.shape_cast %get3A_290 : vector<1x1x1x16xf32> to vector<16xf32>
      %swap3A_292 = arith.index_cast %scan3A_141 : i32 to index
      %swap3A_293 = arith.constant 176 : index
      %swap3A_294 = tpu.vector_load %arg5[%swap3A_292, %swap3A_293] {strides = array<i32>} : memref<64x256xf32, #tpu.memory_space<vmem>>, vector<1x16xf32>,
      %swap3A_295 = vector.shape_cast %swap3A_294 : vector<1x16xf32> to vector<16xf32>
      %swap3A_296 = vector.shape_cast %get3A_291 : vector<16xf32> to vector<1x16xf32>
      tpu.vector_store %arg5[%swap3A_292, %swap3A_293], %swap3A_296 {add = true, strides = array<i32>} : memref<64x256xf32, #tpu.memory_space<vmem>>, vector<1x16xf32>,
      %get3A_297 = arith.constant 1 : i32
      %get3A_298 = arith.constant 0 : i32
      %get3A_299 = arith.index_cast %get3A_297 : i32 to index
      %get3A_300 = arith.index_cast %get3A_298 : i32 to index
      %get3A_301 = arith.index_cast %scan3A_141 : i32 to index
      %get3A_302 = arith.constant 192 : index
      %get3A_303 = tpu.vector_load %arg4[%get3A_299, %get3A_300, %get3A_301, %get3A_302] {strides = array<i32>} : memref<2x2x64x256xf32, #tpu.memory_space<vmem>>, vector<1x1x1x16xf32>,
      %get3A_304 = vector.shape_cast %get3A_303 : vector<1x1x1x16xf32> to vector<16xf32>
      %swap3A_305 = arith.index_cast %scan3A_141 : i32 to index
      %swap3A_306 = arith.constant 192 : index
      %swap3A_307 = tpu.vector_load %arg5[%swap3A_305, %swap3A_306] {strides = array<i32>} : memref<64x256xf32, #tpu.memory_space<vmem>>, vector<1x16xf32>,
      %swap3A_308 = vector.shape_cast %swap3A_307 : vector<1x16xf32> to vector<16xf32>
      %swap3A_309 = vector.shape_cast %get3A_304 : vector<16xf32> to vector<1x16xf32>
      tpu.vector_store %arg5[%swap3A_305, %swap3A_306], %swap3A_309 {add = true, strides = array<i32>} : memref<64x256xf32, #tpu.memory_space<vmem>>, vector<1x16xf32>,
      %get3A_310 = arith.constant 1 : i32
      %get3A_311 = arith.constant 0 : i32
      %get3A_312 = arith.index_cast %get3A_310 : i32 to index
      %get3A_313 = arith.index_cast %get3A_311 : i32 to index
      %get3A_314 = arith.index_cast %scan3A_141 : i32 to index
      %get3A_315 = arith.constant 208 : index
      %get3A_316 = tpu.vector_load %arg4[%get3A_312, %get3A_313, %get3A_314, %get3A_315] {strides = array<i32>} : memref<2x2x64x256xf32, #tpu.memory_space<vmem>>, vector<1x1x1x16xf32>,
      %get3A_317 = vector.shape_cast %get3A_316 : vector<1x1x1x16xf32> to vector<16xf32>
      %swap3A_318 = arith.index_cast %scan3A_141 : i32 to index
      %swap3A_319 = arith.constant 208 : index
      %swap3A_320 = tpu.vector_load %arg5[%swap3A_318, %swap3A_319] {strides = array<i32>} : memref<64x256xf32, #tpu.memory_space<vmem>>, vector<1x16xf32>,
      %swap3A_321 = vector.shape_cast %swap3A_320 : vector<1x16xf32> to vector<16xf32>
      %swap3A_322 = vector.shape_cast %get3A_317 : vector<16xf32> to vector<1x16xf32>
      tpu.vector_store %arg5[%swap3A_318, %swap3A_319], %swap3A_322 {add = true, strides = array<i32>} : memref<64x256xf32, #tpu.memory_space<vmem>>, vector<1x16xf32>,
      %get3A_323 = arith.constant 1 : i32
      %get3A_324 = arith.constant 0 : i32
      %get3A_325 = arith.index_cast %get3A_323 : i32 to index
      %get3A_326 = arith.index_cast %get3A_324 : i32 to index
      %get3A_327 = arith.index_cast %scan3A_141 : i32 to index
      %get3A_328 = arith.constant 224 : index
      %get3A_329 = tpu.vector_load %arg4[%get3A_325, %get3A_326, %get3A_327, %get3A_328] {strides = array<i32>} : memref<2x2x64x256xf32, #tpu.memory_space<vmem>>, vector<1x1x1x16xf32>,
      %get3A_330 = vector.shape_cast %get3A_329 : vector<1x1x1x16xf32> to vector<16xf32>
      %swap3A_331 = arith.index_cast %scan3A_141 : i32 to index
      %swap3A_332 = arith.constant 224 : index
      %swap3A_333 = tpu.vector_load %arg5[%swap3A_331, %swap3A_332] {strides = array<i32>} : memref<64x256xf32, #tpu.memory_space<vmem>>, vector<1x16xf32>,
      %swap3A_334 = vector.shape_cast %swap3A_333 : vector<1x16xf32> to vector<16xf32>
      %swap3A_335 = vector.shape_cast %get3A_330 : vector<16xf32> to vector<1x16xf32>
      tpu.vector_store %arg5[%swap3A_331, %swap3A_332], %swap3A_335 {add = true, strides = array<i32>} : memref<64x256xf32, #tpu.memory_space<vmem>>, vector<1x16xf32>,
      %get3A_336 = arith.constant 1 : i32
      %get3A_337 = arith.constant 0 : i32
      %get3A_338 = arith.index_cast %get3A_336 : i32 to index
      %get3A_339 = arith.index_cast %get3A_337 : i32 to index
      %get3A_340 = arith.index_cast %scan3A_141 : i32 to index
      %get3A_341 = arith.constant 240 : index
      %get3A_342 = tpu.vector_load %arg4[%get3A_338, %get3A_339, %get3A_340, %get3A_341] {strides = array<i32>} : memref<2x2x64x256xf32, #tpu.memory_space<vmem>>, vector<1x1x1x16xf32>,
      %get3A_343 = vector.shape_cast %get3A_342 : vector<1x1x1x16xf32> to vector<16xf32>
      %swap3A_344 = arith.index_cast %scan3A_141 : i32 to index
      %swap3A_345 = arith.constant 240 : index
      %swap3A_346 = tpu.vector_load %arg5[%swap3A_344, %swap3A_345] {strides = array<i32>} : memref<64x256xf32, #tpu.memory_space<vmem>>, vector<1x16xf32>,
      %swap3A_347 = vector.shape_cast %swap3A_346 : vector<1x16xf32> to vector<16xf32>
      %swap3A_348 = vector.shape_cast %get3A_343 : vector<16xf32> to vector<1x16xf32>
      tpu.vector_store %arg5[%swap3A_344, %swap3A_345], %swap3A_348 {add = true, strides = array<i32>} : memref<64x256xf32, #tpu.memory_space<vmem>>, vector<1x16xf32>,
      %get3A_349 = arith.constant 1 : i32
      %get3A_350 = arith.constant 1 : i32
      %get3A_351 = arith.index_cast %get3A_349 : i32 to index
      %get3A_352 = arith.index_cast %get3A_350 : i32 to index
      %get3A_353 = arith.index_cast %scan3A_141 : i32 to index
      %get3A_354 = arith.constant 0 : index
      %get3A_355 = tpu.vector_load %arg4[%get3A_351, %get3A_352, %get3A_353, %get3A_354] {strides = array<i32>} : memref<2x2x64x256xf32, #tpu.memory_space<vmem>>, vector<1x1x1x16xf32>,
      %get3A_356 = vector.shape_cast %get3A_355 : vector<1x1x1x16xf32> to vector<16xf32>
      %swap3A_357 = arith.index_cast %scan3A_141 : i32 to index
      %swap3A_358 = arith.constant 0 : index
      %swap3A_359 = tpu.vector_load %arg5[%swap3A_357, %swap3A_358] {strides = array<i32>} : memref<64x256xf32, #tpu.memory_space<vmem>>, vector<1x16xf32>,
      %swap3A_360 = vector.shape_cast %swap3A_359 : vector<1x16xf32> to vector<16xf32>
      %swap3A_361 = vector.shape_cast %get3A_356 : vector<16xf32> to vector<1x16xf32>
      tpu.vector_store %arg5[%swap3A_357, %swap3A_358], %swap3A_361 {add = true, strides = array<i32>} : memref<64x256xf32, #tpu.memory_space<vmem>>, vector<1x16xf32>,
      %get3A_362 = arith.constant 1 : i32
      %get3A_363 = arith.constant 1 : i32
      %get3A_364 = arith.index_cast %get3A_362 : i32 to index
      %get3A_365 = arith.index_cast %get3A_363 : i32 to index
      %get3A_366 = arith.index_cast %scan3A_141 : i32 to index
      %get3A_367 = arith.constant 16 : index
      %get3A_368 = tpu.vector_load %arg4[%get3A_364, %get3A_365, %get3A_366, %get3A_367] {strides = array<i32>} : memref<2x2x64x256xf32, #tpu.memory_space<vmem>>, vector<1x1x1x16xf32>,
      %get3A_369 = vector.shape_cast %get3A_368 : vector<1x1x1x16xf32> to vector<16xf32>
      %swap3A_370 = arith.index_cast %scan3A_141 : i32 to index
      %swap3A_371 = arith.constant 16 : index
      %swap3A_372 = tpu.vector_load %arg5[%swap3A_370, %swap3A_371] {strides = array<i32>} : memref<64x256xf32, #tpu.memory_space<vmem>>, vector<1x16xf32>,
      %swap3A_373 = vector.shape_cast %swap3A_372 : vector<1x16xf32> to vector<16xf32>
      %swap3A_374 = vector.shape_cast %get3A_369 : vector<16xf32> to vector<1x16xf32>
      tpu.vector_store %arg5[%swap3A_370, %swap3A_371], %swap3A_374 {add = true, strides = array<i32>} : memref<64x256xf32, #tpu.memory_space<vmem>>, vector<1x16xf32>,
      %get3A_375 = arith.constant 1 : i32
      %get3A_376 = arith.constant 1 : i32
      %get3A_377 = arith.index_cast %get3A_375 : i32 to index
      %get3A_378 = arith.index_cast %get3A_376 : i32 to index
      %get3A_379 = arith.index_cast %scan3A_141 : i32 to index
      %get3A_380 = arith.constant 32 : index
      %get3A_381 = tpu.vector_load %arg4[%get3A_377, %get3A_378, %get3A_379, %get3A_380] {strides = array<i32>} : memref<2x2x64x256xf32, #tpu.memory_space<vmem>>, vector<1x1x1x16xf32>,
      %get3A_382 = vector.shape_cast %get3A_381 : vector<1x1x1x16xf32> to vector<16xf32>
      %swap3A_383 = arith.index_cast %scan3A_141 : i32 to index
      %swap3A_384 = arith.constant 32 : index
      %swap3A_385 = tpu.vector_load %arg5[%swap3A_383, %swap3A_384] {strides = array<i32>} : memref<64x256xf32, #tpu.memory_space<vmem>>, vector<1x16xf32>,
      %swap3A_386 = vector.shape_cast %swap3A_385 : vector<1x16xf32> to vector<16xf32>
      %swap3A_387 = vector.shape_cast %get3A_382 : vector<16xf32> to vector<1x16xf32>
      tpu.vector_store %arg5[%swap3A_383, %swap3A_384], %swap3A_387 {add = true, strides = array<i32>} : memref<64x256xf32, #tpu.memory_space<vmem>>, vector<1x16xf32>,
      %get3A_388 = arith.constant 1 : i32
      %get3A_389 = arith.constant 1 : i32
      %get3A_390 = arith.index_cast %get3A_388 : i32 to index
      %get3A_391 = arith.index_cast %get3A_389 : i32 to index
      %get3A_392 = arith.index_cast %scan3A_141 : i32 to index
      %get3A_393 = arith.constant 48 : index
      %get3A_394 = tpu.vector_load %arg4[%get3A_390, %get3A_391, %get3A_392, %get3A_393] {strides = array<i32>} : memref<2x2x64x256xf32, #tpu.memory_space<vmem>>, vector<1x1x1x16xf32>,
      %get3A_395 = vector.shape_cast %get3A_394 : vector<1x1x1x16xf32> to vector<16xf32>
      %swap3A_396 = arith.index_cast %scan3A_141 : i32 to index
      %swap3A_397 = arith.constant 48 : index
      %swap3A_398 = tpu.vector_load %arg5[%swap3A_396, %swap3A_397] {strides = array<i32>} : memref<64x256xf32, #tpu.memory_space<vmem>>, vector<1x16xf32>,
      %swap3A_399 = vector.shape_cast %swap3A_398 : vector<1x16xf32> to vector<16xf32>
      %swap3A_400 = vector.shape_cast %get3A_395 : vector<16xf32> to vector<1x16xf32>
      tpu.vector_store %arg5[%swap3A_396, %swap3A_397], %swap3A_400 {add = true, strides = array<i32>} : memref<64x256xf32, #tpu.memory_space<vmem>>, vector<1x16xf32>,
      %get3A_401 = arith.constant 1 : i32
      %get3A_402 = arith.constant 1 : i32
      %get3A_403 = arith.index_cast %get3A_401 : i32 to index
      %get3A_404 = arith.index_cast %get3A_402 : i32 to index
      %get3A_405 = arith.index_cast %scan3A_141 : i32 to index
      %get3A_406 = arith.constant 64 : index
      %get3A_407 = tpu.vector_load %arg4[%get3A_403, %get3A_404, %get3A_405, %get3A_406] {strides = array<i32>} : memref<2x2x64x256xf32, #tpu.memory_space<vmem>>, vector<1x1x1x16xf32>,
      %get3A_408 = vector.shape_cast %get3A_407 : vector<1x1x1x16xf32> to vector<16xf32>
      %swap3A_409 = arith.index_cast %scan3A_141 : i32 to index
      %swap3A_410 = arith.constant 64 : index
      %swap3A_411 = tpu.vector_load %arg5[%swap3A_409, %swap3A_410] {strides = array<i32>} : memref<64x256xf32, #tpu.memory_space<vmem>>, vector<1x16xf32>,
      %swap3A_412 = vector.shape_cast %swap3A_411 : vector<1x16xf32> to vector<16xf32>
      %swap3A_413 = vector.shape_cast %get3A_408 : vector<16xf32> to vector<1x16xf32>
      tpu.vector_store %arg5[%swap3A_409, %swap3A_410], %swap3A_413 {add = true, strides = array<i32>} : memref<64x256xf32, #tpu.memory_space<vmem>>, vector<1x16xf32>,
      %get3A_414 = arith.constant 1 : i32
      %get3A_415 = arith.constant 1 : i32
      %get3A_416 = arith.index_cast %get3A_414 : i32 to index
      %get3A_417 = arith.index_cast %get3A_415 : i32 to index
      %get3A_418 = arith.index_cast %scan3A_141 : i32 to index
      %get3A_419 = arith.constant 80 : index
      %get3A_420 = tpu.vector_load %arg4[%get3A_416, %get3A_417, %get3A_418, %get3A_419] {strides = array<i32>} : memref<2x2x64x256xf32, #tpu.memory_space<vmem>>, vector<1x1x1x16xf32>,
      %get3A_421 = vector.shape_cast %get3A_420 : vector<1x1x1x16xf32> to vector<16xf32>
      %swap3A_422 = arith.index_cast %scan3A_141 : i32 to index
      %swap3A_423 = arith.constant 80 : index
      %swap3A_424 = tpu.vector_load %arg5[%swap3A_422, %swap3A_423] {strides = array<i32>} : memref<64x256xf32, #tpu.memory_space<vmem>>, vector<1x16xf32>,
      %swap3A_425 = vector.shape_cast %swap3A_424 : vector<1x16xf32> to vector<16xf32>
      %swap3A_426 = vector.shape_cast %get3A_421 : vector<16xf32> to vector<1x16xf32>
      tpu.vector_store %arg5[%swap3A_422, %swap3A_423], %swap3A_426 {add = true, strides = array<i32>} : memref<64x256xf32, #tpu.memory_space<vmem>>, vector<1x16xf32>,
      %get3A_427 = arith.constant 1 : i32
      %get3A_428 = arith.constant 1 : i32
      %get3A_429 = arith.index_cast %get3A_427 : i32 to index
      %get3A_430 = arith.index_cast %get3A_428 : i32 to index
      %get3A_431 = arith.index_cast %scan3A_141 : i32 to index
      %get3A_432 = arith.constant 96 : index
      %get3A_433 = tpu.vector_load %arg4[%get3A_429, %get3A_430, %get3A_431, %get3A_432] {strides = array<i32>} : memref<2x2x64x256xf32, #tpu.memory_space<vmem>>, vector<1x1x1x16xf32>,
      %get3A_434 = vector.shape_cast %get3A_433 : vector<1x1x1x16xf32> to vector<16xf32>
      %swap3A_435 = arith.index_cast %scan3A_141 : i32 to index
      %swap3A_436 = arith.constant 96 : index
      %swap3A_437 = tpu.vector_load %arg5[%swap3A_435, %swap3A_436] {strides = array<i32>} : memref<64x256xf32, #tpu.memory_space<vmem>>, vector<1x16xf32>,
      %swap3A_438 = vector.shape_cast %swap3A_437 : vector<1x16xf32> to vector<16xf32>
      %swap3A_439 = vector.shape_cast %get3A_434 : vector<16xf32> to vector<1x16xf32>
      tpu.vector_store %arg5[%swap3A_435, %swap3A_436], %swap3A_439 {add = true, strides = array<i32>} : memref<64x256xf32, #tpu.memory_space<vmem>>, vector<1x16xf32>,
      %get3A_440 = arith.constant 1 : i32
      %get3A_441 = arith.constant 1 : i32
      %get3A_442 = arith.index_cast %get3A_440 : i32 to index
      %get3A_443 = arith.index_cast %get3A_441 : i32 to index
      %get3A_444 = arith.index_cast %scan3A_141 : i32 to index
      %get3A_445 = arith.constant 112 : index
      %get3A_446 = tpu.vector_load %arg4[%get3A_442, %get3A_443, %get3A_444, %get3A_445] {strides = array<i32>} : memref<2x2x64x256xf32, #tpu.memory_space<vmem>>, vector<1x1x1x16xf32>,
      %get3A_447 = vector.shape_cast %get3A_446 : vector<1x1x1x16xf32> to vector<16xf32>
      %swap3A_448 = arith.index_cast %scan3A_141 : i32 to index
      %swap3A_449 = arith.constant 112 : index
      %swap3A_450 = tpu.vector_load %arg5[%swap3A_448, %swap3A_449] {strides = array<i32>} : memref<64x256xf32, #tpu.memory_space<vmem>>, vector<1x16xf32>,
      %swap3A_451 = vector.shape_cast %swap3A_450 : vector<1x16xf32> to vector<16xf32>
      %swap3A_452 = vector.shape_cast %get3A_447 : vector<16xf32> to vector<1x16xf32>
      tpu.vector_store %arg5[%swap3A_448, %swap3A_449], %swap3A_452 {add = true, strides = array<i32>} : memref<64x256xf32, #tpu.memory_space<vmem>>, vector<1x16xf32>,
      %get3A_453 = arith.constant 1 : i32
      %get3A_454 = arith.constant 1 : i32
      %get3A_455 = arith.index_cast %get3A_453 : i32 to index
      %get3A_456 = arith.index_cast %get3A_454 : i32 to index
      %get3A_457 = arith.index_cast %scan3A_141 : i32 to index
      %get3A_458 = arith.constant 128 : index
      %get3A_459 = tpu.vector_load %arg4[%get3A_455, %get3A_456, %get3A_457, %get3A_458] {strides = array<i32>} : memref<2x2x64x256xf32, #tpu.memory_space<vmem>>, vector<1x1x1x16xf32>,
      %get3A_460 = vector.shape_cast %get3A_459 : vector<1x1x1x16xf32> to vector<16xf32>
      %swap3A_461 = arith.index_cast %scan3A_141 : i32 to index
      %swap3A_462 = arith.constant 128 : index
      %swap3A_463 = tpu.vector_load %arg5[%swap3A_461, %swap3A_462] {strides = array<i32>} : memref<64x256xf32, #tpu.memory_space<vmem>>, vector<1x16xf32>,
      %swap3A_464 = vector.shape_cast %swap3A_463 : vector<1x16xf32> to vector<16xf32>
      %swap3A_465 = vector.shape_cast %get3A_460 : vector<16xf32> to vector<1x16xf32>
      tpu.vector_store %arg5[%swap3A_461, %swap3A_462], %swap3A_465 {add = true, strides = array<i32>} : memref<64x256xf32, #tpu.memory_space<vmem>>, vector<1x16xf32>,
      %get3A_466 = arith.constant 1 : i32
      %get3A_467 = arith.constant 1 : i32
      %get3A_468 = arith.index_cast %get3A_466 : i32 to index
      %get3A_469 = arith.index_cast %get3A_467 : i32 to index
      %get3A_470 = arith.index_cast %scan3A_141 : i32 to index
      %get3A_471 = arith.constant 144 : index
      %get3A_472 = tpu.vector_load %arg4[%get3A_468, %get3A_469, %get3A_470, %get3A_471] {strides = array<i32>} : memref<2x2x64x256xf32, #tpu.memory_space<vmem>>, vector<1x1x1x16xf32>,
      %get3A_473 = vector.shape_cast %get3A_472 : vector<1x1x1x16xf32> to vector<16xf32>
      %swap3A_474 = arith.index_cast %scan3A_141 : i32 to index
      %swap3A_475 = arith.constant 144 : index
      %swap3A_476 = tpu.vector_load %arg5[%swap3A_474, %swap3A_475] {strides = array<i32>} : memref<64x256xf32, #tpu.memory_space<vmem>>, vector<1x16xf32>,
      %swap3A_477 = vector.shape_cast %swap3A_476 : vector<1x16xf32> to vector<16xf32>
      %swap3A_478 = vector.shape_cast %get3A_473 : vector<16xf32> to vector<1x16xf32>
      tpu.vector_store %arg5[%swap3A_474, %swap3A_475], %swap3A_478 {add = true, strides = array<i32>} : memref<64x256xf32, #tpu.memory_space<vmem>>, vector<1x16xf32>,
      %get3A_479 = arith.constant 1 : i32
      %get3A_480 = arith.constant 1 : i32
      %get3A_481 = arith.index_cast %get3A_479 : i32 to index
      %get3A_482 = arith.index_cast %get3A_480 : i32 to index
      %get3A_483 = arith.index_cast %scan3A_141 : i32 to index
      %get3A_484 = arith.constant 160 : index
      %get3A_485 = tpu.vector_load %arg4[%get3A_481, %get3A_482, %get3A_483, %get3A_484] {strides = array<i32>} : memref<2x2x64x256xf32, #tpu.memory_space<vmem>>, vector<1x1x1x16xf32>,
      %get3A_486 = vector.shape_cast %get3A_485 : vector<1x1x1x16xf32> to vector<16xf32>
      %swap3A_487 = arith.index_cast %scan3A_141 : i32 to index
      %swap3A_488 = arith.constant 160 : index
      %swap3A_489 = tpu.vector_load %arg5[%swap3A_487, %swap3A_488] {strides = array<i32>} : memref<64x256xf32, #tpu.memory_space<vmem>>, vector<1x16xf32>,
      %swap3A_490 = vector.shape_cast %swap3A_489 : vector<1x16xf32> to vector<16xf32>
      %swap3A_491 = vector.shape_cast %get3A_486 : vector<16xf32> to vector<1x16xf32>
      tpu.vector_store %arg5[%swap3A_487, %swap3A_488], %swap3A_491 {add = true, strides = array<i32>} : memref<64x256xf32, #tpu.memory_space<vmem>>, vector<1x16xf32>,
      %get3A_492 = arith.constant 1 : i32
      %get3A_493 = arith.constant 1 : i32
      %get3A_494 = arith.index_cast %get3A_492 : i32 to index
      %get3A_495 = arith.index_cast %get3A_493 : i32 to index
      %get3A_496 = arith.index_cast %scan3A_141 : i32 to index
      %get3A_497 = arith.constant 176 : index
      %get3A_498 = tpu.vector_load %arg4[%get3A_494, %get3A_495, %get3A_496, %get3A_497] {strides = array<i32>} : memref<2x2x64x256xf32, #tpu.memory_space<vmem>>, vector<1x1x1x16xf32>,
      %get3A_499 = vector.shape_cast %get3A_498 : vector<1x1x1x16xf32> to vector<16xf32>
      %swap3A_500 = arith.index_cast %scan3A_141 : i32 to index
      %swap3A_501 = arith.constant 176 : index
      %swap3A_502 = tpu.vector_load %arg5[%swap3A_500, %swap3A_501] {strides = array<i32>} : memref<64x256xf32, #tpu.memory_space<vmem>>, vector<1x16xf32>,
      %swap3A_503 = vector.shape_cast %swap3A_502 : vector<1x16xf32> to vector<16xf32>
      %swap3A_504 = vector.shape_cast %get3A_499 : vector<16xf32> to vector<1x16xf32>
      tpu.vector_store %arg5[%swap3A_500, %swap3A_501], %swap3A_504 {add = true, strides = array<i32>} : memref<64x256xf32, #tpu.memory_space<vmem>>, vector<1x16xf32>,
      %get3A_505 = arith.constant 1 : i32
      %get3A_506 = arith.constant 1 : i32
      %get3A_507 = arith.index_cast %get3A_505 : i32 to index
      %get3A_508 = arith.index_cast %get3A_506 : i32 to index
      %get3A_509 = arith.index_cast %scan3A_141 : i32 to index
      %get3A_510 = arith.constant 192 : index
      %get3A_511 = tpu.vector_load %arg4[%get3A_507, %get3A_508, %get3A_509, %get3A_510] {strides = array<i32>} : memref<2x2x64x256xf32, #tpu.memory_space<vmem>>, vector<1x1x1x16xf32>,
      %get3A_512 = vector.shape_cast %get3A_511 : vector<1x1x1x16xf32> to vector<16xf32>
      %swap3A_513 = arith.index_cast %scan3A_141 : i32 to index
      %swap3A_514 = arith.constant 192 : index
      %swap3A_515 = tpu.vector_load %arg5[%swap3A_513, %swap3A_514] {strides = array<i32>} : memref<64x256xf32, #tpu.memory_space<vmem>>, vector<1x16xf32>,
      %swap3A_516 = vector.shape_cast %swap3A_515 : vector<1x16xf32> to vector<16xf32>
      %swap3A_517 = vector.shape_cast %get3A_512 : vector<16xf32> to vector<1x16xf32>
      tpu.vector_store %arg5[%swap3A_513, %swap3A_514], %swap3A_517 {add = true, strides = array<i32>} : memref<64x256xf32, #tpu.memory_space<vmem>>, vector<1x16xf32>,
      %get3A_518 = arith.constant 1 : i32
      %get3A_519 = arith.constant 1 : i32
      %get3A_520 = arith.index_cast %get3A_518 : i32 to index
      %get3A_521 = arith.index_cast %get3A_519 : i32 to index
      %get3A_522 = arith.index_cast %scan3A_141 : i32 to index
      %get3A_523 = arith.constant 208 : index
      %get3A_524 = tpu.vector_load %arg4[%get3A_520, %get3A_521, %get3A_522, %get3A_523] {strides = array<i32>} : memref<2x2x64x256xf32, #tpu.memory_space<vmem>>, vector<1x1x1x16xf32>,
      %get3A_525 = vector.shape_cast %get3A_524 : vector<1x1x1x16xf32> to vector<16xf32>
      %swap3A_526 = arith.index_cast %scan3A_141 : i32 to index
      %swap3A_527 = arith.constant 208 : index
      %swap3A_528 = tpu.vector_load %arg5[%swap3A_526, %swap3A_527] {strides = array<i32>} : memref<64x256xf32, #tpu.memory_space<vmem>>, vector<1x16xf32>,
      %swap3A_529 = vector.shape_cast %swap3A_528 : vector<1x16xf32> to vector<16xf32>
      %swap3A_530 = vector.shape_cast %get3A_525 : vector<16xf32> to vector<1x16xf32>
      tpu.vector_store %arg5[%swap3A_526, %swap3A_527], %swap3A_530 {add = true, strides = array<i32>} : memref<64x256xf32, #tpu.memory_space<vmem>>, vector<1x16xf32>,
      %get3A_531 = arith.constant 1 : i32
      %get3A_532 = arith.constant 1 : i32
      %get3A_533 = arith.index_cast %get3A_531 : i32 to index
      %get3A_534 = arith.index_cast %get3A_532 : i32 to index
      %get3A_535 = arith.index_cast %scan3A_141 : i32 to index
      %get3A_536 = arith.constant 224 : index
      %get3A_537 = tpu.vector_load %arg4[%get3A_533, %get3A_534, %get3A_535, %get3A_536] {strides = array<i32>} : memref<2x2x64x256xf32, #tpu.memory_space<vmem>>, vector<1x1x1x16xf32>,
      %get3A_538 = vector.shape_cast %get3A_537 : vector<1x1x1x16xf32> to vector<16xf32>
      %swap3A_539 = arith.index_cast %scan3A_141 : i32 to index
      %swap3A_540 = arith.constant 224 : index
      %swap3A_541 = tpu.vector_load %arg5[%swap3A_539, %swap3A_540] {strides = array<i32>} : memref<64x256xf32, #tpu.memory_space<vmem>>, vector<1x16xf32>,
      %swap3A_542 = vector.shape_cast %swap3A_541 : vector<1x16xf32> to vector<16xf32>
      %swap3A_543 = vector.shape_cast %get3A_538 : vector<16xf32> to vector<1x16xf32>
      tpu.vector_store %arg5[%swap3A_539, %swap3A_540], %swap3A_543 {add = true, strides = array<i32>} : memref<64x256xf32, #tpu.memory_space<vmem>>, vector<1x16xf32>,
      %get3A_544 = arith.constant 1 : i32
      %get3A_545 = arith.constant 1 : i32
      %get3A_546 = arith.index_cast %get3A_544 : i32 to index
      %get3A_547 = arith.index_cast %get3A_545 : i32 to index
      %get3A_548 = arith.index_cast %scan3A_141 : i32 to index
      %get3A_549 = arith.constant 240 : index
      %get3A_550 = tpu.vector_load %arg4[%get3A_546, %get3A_547, %get3A_548, %get3A_549] {strides = array<i32>} : memref<2x2x64x256xf32, #tpu.memory_space<vmem>>, vector<1x1x1x16xf32>,
      %get3A_551 = vector.shape_cast %get3A_550 : vector<1x1x1x16xf32> to vector<16xf32>
      %swap3A_552 = arith.index_cast %scan3A_141 : i32 to index
      %swap3A_553 = arith.constant 240 : index
      %swap3A_554 = tpu.vector_load %arg5[%swap3A_552, %swap3A_553] {strides = array<i32>} : memref<64x256xf32, #tpu.memory_space<vmem>>, vector<1x16xf32>,
      %swap3A_555 = vector.shape_cast %swap3A_554 : vector<1x16xf32> to vector<16xf32>
      %swap3A_556 = vector.shape_cast %get3A_551 : vector<16xf32> to vector<1x16xf32>
      tpu.vector_store %arg5[%swap3A_552, %swap3A_553], %swap3A_556 {add = true, strides = array<i32>} : memref<64x256xf32, #tpu.memory_space<vmem>>, vector<1x16xf32>,
      %scan3A_557 = arith.constant 0 : i32
      scf.yield %scan3A_557 : i32
    }
    %scan3A_131 = arith.constant 64 : i32
    %scan3A_132 = arith.constant 0 : i32
    %scan3A_133 = arith.constant 1 : i32
    %scan3A_134 = arith.constant 63 : i32
    %scan3A_135 = arith.addi %scan3A_133, %scan3A_134 : i32
    %scan3A_136 = arith.constant 1 : i32
    %scan3A_137 = scf.for %scan3A_141 = %scan3A_133 to %scan3A_135 step %scan3A_136 iter_args(%scan3A_142 = %scan3A_132) -> (i32)  : i32 {
      %get3A = arith.index_cast %scan3A_141 : i32 to index
      %get3A_143 = arith.constant 0 : index
      %get3A_144 = tpu.vector_load %arg5[%get3A, %get3A_143] {strides = array<i32>} : memref<64x256xf32, #tpu.memory_space<vmem>>, vector<1x16xf32>,
      %get3A_145 = vector.shape_cast %get3A_144 : vector<1x16xf32> to vector<16xf32>
      %swap3A = arith.constant 0 : i32
      %swap3A_146 = arith.index_cast %swap3A : i32 to index
      %swap3A_147 = arith.constant 0 : index
      %swap3A_148 = tpu.vector_load %arg5[%swap3A_146, %swap3A_147] {strides = array<i32>} : memref<64x256xf32, #tpu.memory_space<vmem>>, vector<1x16xf32>,
      %swap3A_149 = vector.shape_cast %swap3A_148 : vector<1x16xf32> to vector<16xf32>
      %swap3A_150 = vector.shape_cast %get3A_145 : vector<16xf32> to vector<1x16xf32>
      tpu.vector_store %arg5[%swap3A_146, %swap3A_147], %swap3A_150 {add = true, strides = array<i32>} : memref<64x256xf32, #tpu.memory_space<vmem>>, vector<1x16xf32>,
      %get3A_151 = arith.index_cast %scan3A_141 : i32 to index
      %get3A_152 = arith.constant 16 : index
      %get3A_153 = tpu.vector_load %arg5[%get3A_151, %get3A_152] {strides = array<i32>} : memref<64x256xf32, #tpu.memory_space<vmem>>, vector<1x16xf32>,
      %get3A_154 = vector.shape_cast %get3A_153 : vector<1x16xf32> to vector<16xf32>
      %swap3A_155 = arith.constant 0 : i32
      %swap3A_156 = arith.index_cast %swap3A_155 : i32 to index
      %swap3A_157 = arith.constant 16 : index
      %swap3A_158 = tpu.vector_load %arg5[%swap3A_156, %swap3A_157] {strides = array<i32>} : memref<64x256xf32, #tpu.memory_space<vmem>>, vector<1x16xf32>,
      %swap3A_159 = vector.shape_cast %swap3A_158 : vector<1x16xf32> to vector<16xf32>
      %swap3A_160 = vector.shape_cast %get3A_154 : vector<16xf32> to vector<1x16xf32>
      tpu.vector_store %arg5[%swap3A_156, %swap3A_157], %swap3A_160 {add = true, strides = array<i32>} : memref<64x256xf32, #tpu.memory_space<vmem>>, vector<1x16xf32>,
      %get3A_161 = arith.index_cast %scan3A_141 : i32 to index
      %get3A_162 = arith.constant 32 : index
      %get3A_163 = tpu.vector_load %arg5[%get3A_161, %get3A_162] {strides = array<i32>} : memref<64x256xf32, #tpu.memory_space<vmem>>, vector<1x16xf32>,
      %get3A_164 = vector.shape_cast %get3A_163 : vector<1x16xf32> to vector<16xf32>
      %swap3A_165 = arith.constant 0 : i32
      %swap3A_166 = arith.index_cast %swap3A_165 : i32 to index
      %swap3A_167 = arith.constant 32 : index
      %swap3A_168 = tpu.vector_load %arg5[%swap3A_166, %swap3A_167] {strides = array<i32>} : memref<64x256xf32, #tpu.memory_space<vmem>>, vector<1x16xf32>,
      %swap3A_169 = vector.shape_cast %swap3A_168 : vector<1x16xf32> to vector<16xf32>
      %swap3A_170 = vector.shape_cast %get3A_164 : vector<16xf32> to vector<1x16xf32>
      tpu.vector_store %arg5[%swap3A_166, %swap3A_167], %swap3A_170 {add = true, strides = array<i32>} : memref<64x256xf32, #tpu.memory_space<vmem>>, vector<1x16xf32>,
      %get3A_171 = arith.index_cast %scan3A_141 : i32 to index
      %get3A_172 = arith.constant 48 : index
      %get3A_173 = tpu.vector_load %arg5[%get3A_171, %get3A_172] {strides = array<i32>} : memref<64x256xf32, #tpu.memory_space<vmem>>, vector<1x16xf32>,
      %get3A_174 = vector.shape_cast %get3A_173 : vector<1x16xf32> to vector<16xf32>
      %swap3A_175 = arith.constant 0 : i32
      %swap3A_176 = arith.index_cast %swap3A_175 : i32 to index
      %swap3A_177 = arith.constant 48 : index
      %swap3A_178 = tpu.vector_load %arg5[%swap3A_176, %swap3A_177] {strides = array<i32>} : memref<64x256xf32, #tpu.memory_space<vmem>>, vector<1x16xf32>,
      %swap3A_179 = vector.shape_cast %swap3A_178 : vector<1x16xf32> to vector<16xf32>
      %swap3A_180 = vector.shape_cast %get3A_174 : vector<16xf32> to vector<1x16xf32>
      tpu.vector_store %arg5[%swap3A_176, %swap3A_177], %swap3A_180 {add = true, strides = array<i32>} : memref<64x256xf32, #tpu.memory_space<vmem>>, vector<1x16xf32>,
      %get3A_181 = arith.index_cast %scan3A_141 : i32 to index
      %get3A_182 = arith.constant 64 : index
      %get3A_183 = tpu.vector_load %arg5[%get3A_181, %get3A_182] {strides = array<i32>} : memref<64x256xf32, #tpu.memory_space<vmem>>, vector<1x16xf32>,
      %get3A_184 = vector.shape_cast %get3A_183 : vector<1x16xf32> to vector<16xf32>
      %swap3A_185 = arith.constant 0 : i32
      %swap3A_186 = arith.index_cast %swap3A_185 : i32 to index
      %swap3A_187 = arith.constant 64 : index
      %swap3A_188 = tpu.vector_load %arg5[%swap3A_186, %swap3A_187] {strides = array<i32>} : memref<64x256xf32, #tpu.memory_space<vmem>>, vector<1x16xf32>,
      %swap3A_189 = vector.shape_cast %swap3A_188 : vector<1x16xf32> to vector<16xf32>
      %swap3A_190 = vector.shape_cast %get3A_184 : vector<16xf32> to vector<1x16xf32>
      tpu.vector_store %arg5[%swap3A_186, %swap3A_187], %swap3A_190 {add = true, strides = array<i32>} : memref<64x256xf32, #tpu.memory_space<vmem>>, vector<1x16xf32>,
      %get3A_191 = arith.index_cast %scan3A_141 : i32 to index
      %get3A_192 = arith.constant 80 : index
      %get3A_193 = tpu.vector_load %arg5[%get3A_191, %get3A_192] {strides = array<i32>} : memref<64x256xf32, #tpu.memory_space<vmem>>, vector<1x16xf32>,
      %get3A_194 = vector.shape_cast %get3A_193 : vector<1x16xf32> to vector<16xf32>
      %swap3A_195 = arith.constant 0 : i32
      %swap3A_196 = arith.index_cast %swap3A_195 : i32 to index
      %swap3A_197 = arith.constant 80 : index
      %swap3A_198 = tpu.vector_load %arg5[%swap3A_196, %swap3A_197] {strides = array<i32>} : memref<64x256xf32, #tpu.memory_space<vmem>>, vector<1x16xf32>,
      %swap3A_199 = vector.shape_cast %swap3A_198 : vector<1x16xf32> to vector<16xf32>
      %swap3A_200 = vector.shape_cast %get3A_194 : vector<16xf32> to vector<1x16xf32>
      tpu.vector_store %arg5[%swap3A_196, %swap3A_197], %swap3A_200 {add = true, strides = array<i32>} : memref<64x256xf32, #tpu.memory_space<vmem>>, vector<1x16xf32>,
      %get3A_201 = arith.index_cast %scan3A_141 : i32 to index
      %get3A_202 = arith.constant 96 : index
      %get3A_203 = tpu.vector_load %arg5[%get3A_201, %get3A_202] {strides = array<i32>} : memref<64x256xf32, #tpu.memory_space<vmem>>, vector<1x16xf32>,
      %get3A_204 = vector.shape_cast %get3A_203 : vector<1x16xf32> to vector<16xf32>
      %swap3A_205 = arith.constant 0 : i32
      %swap3A_206 = arith.index_cast %swap3A_205 : i32 to index
      %swap3A_207 = arith.constant 96 : index
      %swap3A_208 = tpu.vector_load %arg5[%swap3A_206, %swap3A_207] {strides = array<i32>} : memref<64x256xf32, #tpu.memory_space<vmem>>, vector<1x16xf32>,
      %swap3A_209 = vector.shape_cast %swap3A_208 : vector<1x16xf32> to vector<16xf32>
      %swap3A_210 = vector.shape_cast %get3A_204 : vector<16xf32> to vector<1x16xf32>
      tpu.vector_store %arg5[%swap3A_206, %swap3A_207], %swap3A_210 {add = true, strides = array<i32>} : memref<64x256xf32, #tpu.memory_space<vmem>>, vector<1x16xf32>,
      %get3A_211 = arith.index_cast %scan3A_141 : i32 to index
      %get3A_212 = arith.constant 112 : index
      %get3A_213 = tpu.vector_load %arg5[%get3A_211, %get3A_212] {strides = array<i32>} : memref<64x256xf32, #tpu.memory_space<vmem>>, vector<1x16xf32>,
      %get3A_214 = vector.shape_cast %get3A_213 : vector<1x16xf32> to vector<16xf32>
      %swap3A_215 = arith.constant 0 : i32
      %swap3A_216 = arith.index_cast %swap3A_215 : i32 to index
      %swap3A_217 = arith.constant 112 : index
      %swap3A_218 = tpu.vector_load %arg5[%swap3A_216, %swap3A_217] {strides = array<i32>} : memref<64x256xf32, #tpu.memory_space<vmem>>, vector<1x16xf32>,
      %swap3A_219 = vector.shape_cast %swap3A_218 : vector<1x16xf32> to vector<16xf32>
      %swap3A_220 = vector.shape_cast %get3A_214 : vector<16xf32> to vector<1x16xf32>
      tpu.vector_store %arg5[%swap3A_216, %swap3A_217], %swap3A_220 {add = true, strides = array<i32>} : memref<64x256xf32, #tpu.memory_space<vmem>>, vector<1x16xf32>,
      %get3A_221 = arith.index_cast %scan3A_141 : i32 to index
      %get3A_222 = arith.constant 128 : index
      %get3A_223 = tpu.vector_load %arg5[%get3A_221, %get3A_222] {strides = array<i32>} : memref<64x256xf32, #tpu.memory_space<vmem>>, vector<1x16xf32>,
      %get3A_224 = vector.shape_cast %get3A_223 : vector<1x16xf32> to vector<16xf32>
      %swap3A_225 = arith.constant 0 : i32
      %swap3A_226 = arith.index_cast %swap3A_225 : i32 to index
      %swap3A_227 = arith.constant 128 : index
      %swap3A_228 = tpu.vector_load %arg5[%swap3A_226, %swap3A_227] {strides = array<i32>} : memref<64x256xf32, #tpu.memory_space<vmem>>, vector<1x16xf32>,
      %swap3A_229 = vector.shape_cast %swap3A_228 : vector<1x16xf32> to vector<16xf32>
      %swap3A_230 = vector.shape_cast %get3A_224 : vector<16xf32> to vector<1x16xf32>
      tpu.vector_store %arg5[%swap3A_226, %swap3A_227], %swap3A_230 {add = true, strides = array<i32>} : memref<64x256xf32, #tpu.memory_space<vmem>>, vector<1x16xf32>,
      %get3A_231 = arith.index_cast %scan3A_141 : i32 to index
      %get3A_232 = arith.constant 144 : index
      %get3A_233 = tpu.vector_load %arg5[%get3A_231, %get3A_232] {strides = array<i32>} : memref<64x256xf32, #tpu.memory_space<vmem>>, vector<1x16xf32>,
      %get3A_234 = vector.shape_cast %get3A_233 : vector<1x16xf32> to vector<16xf32>
      %swap3A_235 = arith.constant 0 : i32
      %swap3A_236 = arith.index_cast %swap3A_235 : i32 to index
      %swap3A_237 = arith.constant 144 : index
      %swap3A_238 = tpu.vector_load %arg5[%swap3A_236, %swap3A_237] {strides = array<i32>} : memref<64x256xf32, #tpu.memory_space<vmem>>, vector<1x16xf32>,
      %swap3A_239 = vector.shape_cast %swap3A_238 : vector<1x16xf32> to vector<16xf32>
      %swap3A_240 = vector.shape_cast %get3A_234 : vector<16xf32> to vector<1x16xf32>
      tpu.vector_store %arg5[%swap3A_236, %swap3A_237], %swap3A_240 {add = true, strides = array<i32>} : memref<64x256xf32, #tpu.memory_space<vmem>>, vector<1x16xf32>,
      %get3A_241 = arith.index_cast %scan3A_141 : i32 to index
      %get3A_242 = arith.constant 160 : index
      %get3A_243 = tpu.vector_load %arg5[%get3A_241, %get3A_242] {strides = array<i32>} : memref<64x256xf32, #tpu.memory_space<vmem>>, vector<1x16xf32>,
      %get3A_244 = vector.shape_cast %get3A_243 : vector<1x16xf32> to vector<16xf32>
      %swap3A_245 = arith.constant 0 : i32
      %swap3A_246 = arith.index_cast %swap3A_245 : i32 to index
      %swap3A_247 = arith.constant 160 : index
      %swap3A_248 = tpu.vector_load %arg5[%swap3A_246, %swap3A_247] {strides = array<i32>} : memref<64x256xf32, #tpu.memory_space<vmem>>, vector<1x16xf32>,
      %swap3A_249 = vector.shape_cast %swap3A_248 : vector<1x16xf32> to vector<16xf32>
      %swap3A_250 = vector.shape_cast %get3A_244 : vector<16xf32> to vector<1x16xf32>
      tpu.vector_store %arg5[%swap3A_246, %swap3A_247], %swap3A_250 {add = true, strides = array<i32>} : memref<64x256xf32, #tpu.memory_space<vmem>>, vector<1x16xf32>,
      %get3A_251 = arith.index_cast %scan3A_141 : i32 to index
      %get3A_252 = arith.constant 176 : index
      %get3A_253 = tpu.vector_load %arg5[%get3A_251, %get3A_252] {strides = array<i32>} : memref<64x256xf32, #tpu.memory_space<vmem>>, vector<1x16xf32>,
      %get3A_254 = vector.shape_cast %get3A_253 : vector<1x16xf32> to vector<16xf32>
      %swap3A_255 = arith.constant 0 : i32
      %swap3A_256 = arith.index_cast %swap3A_255 : i32 to index
      %swap3A_257 = arith.constant 176 : index
      %swap3A_258 = tpu.vector_load %arg5[%swap3A_256, %swap3A_257] {strides = array<i32>} : memref<64x256xf32, #tpu.memory_space<vmem>>, vector<1x16xf32>,
      %swap3A_259 = vector.shape_cast %swap3A_258 : vector<1x16xf32> to vector<16xf32>
      %swap3A_260 = vector.shape_cast %get3A_254 : vector<16xf32> to vector<1x16xf32>
      tpu.vector_store %arg5[%swap3A_256, %swap3A_257], %swap3A_260 {add = true, strides = array<i32>} : memref<64x256xf32, #tpu.memory_space<vmem>>, vector<1x16xf32>,
      %get3A_261 = arith.index_cast %scan3A_141 : i32 to index
      %get3A_262 = arith.constant 192 : index
      %get3A_263 = tpu.vector_load %arg5[%get3A_261, %get3A_262] {strides = array<i32>} : memref<64x256xf32, #tpu.memory_space<vmem>>, vector<1x16xf32>,
      %get3A_264 = vector.shape_cast %get3A_263 : vector<1x16xf32> to vector<16xf32>
      %swap3A_265 = arith.constant 0 : i32
      %swap3A_266 = arith.index_cast %swap3A_265 : i32 to index
      %swap3A_267 = arith.constant 192 : index
      %swap3A_268 = tpu.vector_load %arg5[%swap3A_266, %swap3A_267] {strides = array<i32>} : memref<64x256xf32, #tpu.memory_space<vmem>>, vector<1x16xf32>,
      %swap3A_269 = vector.shape_cast %swap3A_268 : vector<1x16xf32> to vector<16xf32>
      %swap3A_270 = vector.shape_cast %get3A_264 : vector<16xf32> to vector<1x16xf32>
      tpu.vector_store %arg5[%swap3A_266, %swap3A_267], %swap3A_270 {add = true, strides = array<i32>} : memref<64x256xf32, #tpu.memory_space<vmem>>, vector<1x16xf32>,
      %get3A_271 = arith.index_cast %scan3A_141 : i32 to index
      %get3A_272 = arith.constant 208 : index
      %get3A_273 = tpu.vector_load %arg5[%get3A_271, %get3A_272] {strides = array<i32>} : memref<64x256xf32, #tpu.memory_space<vmem>>, vector<1x16xf32>,
      %get3A_274 = vector.shape_cast %get3A_273 : vector<1x16xf32> to vector<16xf32>
      %swap3A_275 = arith.constant 0 : i32
      %swap3A_276 = arith.index_cast %swap3A_275 : i32 to index
      %swap3A_277 = arith.constant 208 : index
      %swap3A_278 = tpu.vector_load %arg5[%swap3A_276, %swap3A_277] {strides = array<i32>} : memref<64x256xf32, #tpu.memory_space<vmem>>, vector<1x16xf32>,
      %swap3A_279 = vector.shape_cast %swap3A_278 : vector<1x16xf32> to vector<16xf32>
      %swap3A_280 = vector.shape_cast %get3A_274 : vector<16xf32> to vector<1x16xf32>
      tpu.vector_store %arg5[%swap3A_276, %swap3A_277], %swap3A_280 {add = true, strides = array<i32>} : memref<64x256xf32, #tpu.memory_space<vmem>>, vector<1x16xf32>,
      %get3A_281 = arith.index_cast %scan3A_141 : i32 to index
      %get3A_282 = arith.constant 224 : index
      %get3A_283 = tpu.vector_load %arg5[%get3A_281, %get3A_282] {strides = array<i32>} : memref<64x256xf32, #tpu.memory_space<vmem>>, vector<1x16xf32>,
      %get3A_284 = vector.shape_cast %get3A_283 : vector<1x16xf32> to vector<16xf32>
      %swap3A_285 = arith.constant 0 : i32
      %swap3A_286 = arith.index_cast %swap3A_285 : i32 to index
      %swap3A_287 = arith.constant 224 : index
      %swap3A_288 = tpu.vector_load %arg5[%swap3A_286, %swap3A_287] {strides = array<i32>} : memref<64x256xf32, #tpu.memory_space<vmem>>, vector<1x16xf32>,
      %swap3A_289 = vector.shape_cast %swap3A_288 : vector<1x16xf32> to vector<16xf32>
      %swap3A_290 = vector.shape_cast %get3A_284 : vector<16xf32> to vector<1x16xf32>
      tpu.vector_store %arg5[%swap3A_286, %swap3A_287], %swap3A_290 {add = true, strides = array<i32>} : memref<64x256xf32, #tpu.memory_space<vmem>>, vector<1x16xf32>,
      %get3A_291 = arith.index_cast %scan3A_141 : i32 to index
      %get3A_292 = arith.constant 240 : index
      %get3A_293 = tpu.vector_load %arg5[%get3A_291, %get3A_292] {strides = array<i32>} : memref<64x256xf32, #tpu.memory_space<vmem>>, vector<1x16xf32>,
      %get3A_294 = vector.shape_cast %get3A_293 : vector<1x16xf32> to vector<16xf32>
      %swap3A_295 = arith.constant 0 : i32
      %swap3A_296 = arith.index_cast %swap3A_295 : i32 to index
      %swap3A_297 = arith.constant 240 : index
      %swap3A_298 = tpu.vector_load %arg5[%swap3A_296, %swap3A_297] {strides = array<i32>} : memref<64x256xf32, #tpu.memory_space<vmem>>, vector<1x16xf32>,
      %swap3A_299 = vector.shape_cast %swap3A_298 : vector<1x16xf32> to vector<16xf32>
      %swap3A_300 = vector.shape_cast %get3A_294 : vector<16xf32> to vector<1x16xf32>
      tpu.vector_store %arg5[%swap3A_296, %swap3A_297], %swap3A_300 {add = true, strides = array<i32>} : memref<64x256xf32, #tpu.memory_space<vmem>>, vector<1x16xf32>,
      %scan3A_301 = arith.constant 0 : i32
      scf.yield %scan3A_301 : i32
    }
    %scan3A_138 = arith.constant 63 : i32
    %sub3A_139 = arith.constant 30 : i32
    %sub3A_140 = arith.subi %add3A_18, %sub3A_139 : i32
    %run_scoped3A = arith.constant 0 : i32
    "tpu.region"() ({
      %run_scoped3A_141 = tpu.sem_alloc : memref<!tpu.dma_semaphore, #tpu.memory_space<semaphore_mem>>
      %dma_start3A_142 = arith.constant 0 : i32
      %dma_start3A_143 = tpu.memref_slice %arg5[%run_scoped3A, %dma_start3A_142] : memref<64x256xf32, #tpu.memory_space<vmem>> -> memref<1x256xf32, #tpu.memory_space<vmem>>
      %dma_start3A_144 = tpu.memref_squeeze %dma_start3A_143 : memref<1x256xf32, #tpu.memory_space<vmem>> -> memref<256xf32, #tpu.memory_space<vmem>>
      %dma_start3A_145 = arith.constant 0 : i32
      %dma_start3A_146 = tpu.memref_slice %arg3[%select_n3A_32, %sub3A_140, %dma_start3A_145] : memref<16x2x256xf32, #tpu.memory_space<hbm>> -> memref<1x1x256xf32, #tpu.memory_space<hbm>>
      %dma_start3A_147 = tpu.memref_squeeze %dma_start3A_146 : memref<1x1x256xf32, #tpu.memory_space<hbm>> -> memref<256xf32, #tpu.memory_space<hbm>>
      %dma_start3A_148 = arith.constant 0 : i32
      %dma_start3A_149 = tpu.memref_slice %arg3[%select_n3A_32, %sub3A_140, %dma_start3A_148] : memref<16x2x256xf32, #tpu.memory_space<hbm>> -> memref<1x1x256xf32, #tpu.memory_space<hbm>>
      %dma_start3A_150 = tpu.memref_squeeze %dma_start3A_149 : memref<1x1x256xf32, #tpu.memory_space<hbm>> -> memref<256xf32, #tpu.memory_space<hbm>>
      %dma_start3A_151 = arith.constant 0 : i32
      %dma_start3A_152 = tpu.memref_slice %arg5[%run_scoped3A, %dma_start3A_151] : memref<64x256xf32, #tpu.memory_space<vmem>> -> memref<1x256xf32, #tpu.memory_space<vmem>>
      %dma_start3A_153 = tpu.memref_squeeze %dma_start3A_152 : memref<1x256xf32, #tpu.memory_space<vmem>> -> memref<256xf32, #tpu.memory_space<vmem>>
      tpu.enqueue_dma source(%dma_start3A_153 : memref<256xf32, #tpu.memory_space<vmem>>) target(%dma_start3A_150 : memref<256xf32, #tpu.memory_space<hbm>>) target_semaphore(%run_scoped3A_141 : memref<!tpu.dma_semaphore, #tpu.memory_space<semaphore_mem>>)
      %dma_wait3A_154 = arith.constant 0 : i32
      %dma_wait3A_155 = tpu.memref_slice %arg5[%run_scoped3A, %dma_wait3A_154] : memref<64x256xf32, #tpu.memory_space<vmem>> -> memref<1x256xf32, #tpu.memory_space<vmem>>
      %dma_wait3A_156 = tpu.memref_squeeze %dma_wait3A_155 : memref<1x256xf32, #tpu.memory_space<vmem>> -> memref<256xf32, #tpu.memory_space<vmem>>
      %dma_wait3A_157 = arith.constant 0 : i32
      %dma_wait3A_158 = tpu.memref_slice %arg3[%select_n3A_32, %sub3A_140, %dma_wait3A_157] : memref<16x2x256xf32, #tpu.memory_space<hbm>> -> memref<1x1x256xf32, #tpu.memory_space<hbm>>
      %dma_wait3A_159 = tpu.memref_squeeze %dma_wait3A_158 : memref<1x1x256xf32, #tpu.memory_space<hbm>> -> memref<256xf32, #tpu.memory_space<hbm>>
      %dma_wait3A_160 = arith.constant 0 : i32
      %dma_wait3A_161 = tpu.memref_slice %arg3[%select_n3A_32, %sub3A_140, %dma_wait3A_160] : memref<16x2x256xf32, #tpu.memory_space<hbm>> -> memref<1x1x256xf32, #tpu.memory_space<hbm>>
      %dma_wait3A_162 = tpu.memref_squeeze %dma_wait3A_161 : memref<1x1x256xf32, #tpu.memory_space<hbm>> -> memref<256xf32, #tpu.memory_space<hbm>>
      %dma_wait3A_163 = arith.constant 0 : i32
      %dma_wait3A_164 = tpu.memref_slice %arg5[%run_scoped3A, %dma_wait3A_163] : memref<64x256xf32, #tpu.memory_space<vmem>> -> memref<1x256xf32, #tpu.memory_space<vmem>>
      %dma_wait3A_165 = tpu.memref_squeeze %dma_wait3A_164 : memref<1x256xf32, #tpu.memory_space<vmem>> -> memref<256xf32, #tpu.memory_space<vmem>>
      tpu.wait_dma2 semaphore(%run_scoped3A_141 : memref<!tpu.dma_semaphore, #tpu.memory_space<semaphore_mem>>) src(%dma_wait3A_165 : memref<256xf32, #tpu.memory_space<vmem>>) dst(%dma_wait3A_162 : memref<256xf32, #tpu.memory_space<hbm>>)
      tpu.yield
    }) : () -> ()
    return
  }
}

module attributes {stable_mosaic.version = 14 : i64} {
  func.func @_tc_main_kernel(%arg0: i32, %arg1: memref<2x64x64x256xf32, #tpu.memory_space<vmem>>, %arg2: memref<256x128xf32, #tpu.memory_space<vmem>>, %arg3: memref<1x128xf32, #tpu.memory_space<vmem>>, %arg4: memref<128x4xf32, #tpu.memory_space<vmem>>, %arg5: memref<1x4xf32, #tpu.memory_space<vmem>>, %arg6: memref<30x4xf32, #tpu.memory_space<vmem>>) attributes {dimension_semantics = [#tpu.dimension_semantics<arbitrary>], iteration_bounds = array<i64: 15>, scalar_prefetch = 0 : i64, scratch_operands = 0 : i64, tpu.core_type = #tpu.core_type<tc>, window_params = [{transform_indices = @transform_0, window_bounds = array<i64: 2, 64, 64, 256>}, {pipeline_mode = #tpu.pipeline_mode<synchronous>, transform_indices = @transform_1, window_bounds = array<i64: 256, 128>}, {pipeline_mode = #tpu.pipeline_mode<synchronous>, transform_indices = @transform_2, window_bounds = array<i64: 1, 128>}, {pipeline_mode = #tpu.pipeline_mode<synchronous>, transform_indices = @transform_3, window_bounds = array<i64: 128, 4>}, {pipeline_mode = #tpu.pipeline_mode<synchronous>, transform_indices = @transform_4, window_bounds = array<i64: 1, 4>}, {pipeline_mode = #tpu.pipeline_mode<synchronous>, transform_indices = @transform_5, window_bounds = array<i64: 30, 4>}]} {
    %get3A = arith.constant 0 : index
    %get3A_0 = arith.constant 0 : index
    %get3A_1 = arith.constant 0 : index
    %get3A_2 = arith.constant 0 : index
    %get3A_3 = vector.load %arg1[%get3A, %get3A_0, %get3A_1, %get3A_2] : memref<2x64x64x256xf32, #tpu.memory_space<vmem>>, vector<1x64x64x256xf32>
    %get3A_4 = vector.shape_cast %get3A_3 : vector<1x64x64x256xf32> to vector<64x64x256xf32>
    %reduce_sum3A = arith.constant dense<0.000000e+00> : vector<64x256xf32>
    %reduce_sum3A_5 = vector.multi_reduction <add>, %get3A_4, %reduce_sum3A [0] : vector<64x64x256xf32> to vector<64x256xf32>
    %reduce_sum3A_6 = arith.constant dense<0.000000e+00> : vector<256xf32>
    %reduce_sum3A_7 = vector.multi_reduction <add>, %reduce_sum3A_5, %reduce_sum3A_6 [0] : vector<64x256xf32> to vector<256xf32>
    %get3A_8 = arith.constant 1 : index
    %get3A_9 = arith.constant 0 : index
    %get3A_10 = arith.constant 0 : index
    %get3A_11 = arith.constant 0 : index
    %get3A_12 = vector.load %arg1[%get3A_8, %get3A_9, %get3A_10, %get3A_11] : memref<2x64x64x256xf32, #tpu.memory_space<vmem>>, vector<1x64x64x256xf32>
    %get3A_13 = vector.shape_cast %get3A_12 : vector<1x64x64x256xf32> to vector<64x64x256xf32>
    %reduce_sum3A_14 = arith.constant dense<0.000000e+00> : vector<64x256xf32>
    %reduce_sum3A_15 = vector.multi_reduction <add>, %get3A_13, %reduce_sum3A_14 [0] : vector<64x64x256xf32> to vector<64x256xf32>
    %reduce_sum3A_16 = arith.constant dense<0.000000e+00> : vector<256xf32>
    %reduce_sum3A_17 = vector.multi_reduction <add>, %reduce_sum3A_15, %reduce_sum3A_16 [0] : vector<64x256xf32> to vector<256xf32>
    %stack3A = vector.shape_cast %reduce_sum3A_7 : vector<256xf32> to vector<1x256xf32>
    %stack3A_18 = vector.shape_cast %reduce_sum3A_17 : vector<256xf32> to vector<1x256xf32>
    %stack3A_19 = tpu.concatenate %stack3A, %stack3A_18 in 0 : vector<1x256xf32>, vector<1x256xf32> -> vector<2x256xf32>
    %mul3A = arith.constant 2.44140625E-4 : f32
    %mul3A_20 = vector.broadcast %mul3A : f32 to vector<2x256xf32>
    %mul3A_21 = arith.mulf %stack3A_19, %mul3A_20 : vector<2x256xf32>
    %get3A_22 = arith.constant 0 : index
    %get3A_23 = arith.constant 0 : index
    %get3A_24 = vector.load %arg2[%get3A_22, %get3A_23] : memref<256x128xf32, #tpu.memory_space<vmem>>, vector<256x128xf32>
    %get3A_25 = arith.constant 0 : index
    %get3A_26 = arith.constant 0 : index
    %get3A_27 = vector.load %arg3[%get3A_25, %get3A_26] : memref<1x128xf32, #tpu.memory_space<vmem>>, vector<1x128xf32>
    %get3A_28 = arith.constant 0 : index
    %get3A_29 = arith.constant 0 : index
    %get3A_30 = vector.load %arg4[%get3A_28, %get3A_29] : memref<128x4xf32, #tpu.memory_space<vmem>>, vector<128x4xf32>
    %get3A_31 = arith.constant 0 : index
    %get3A_32 = arith.constant 0 : index
    %get3A_33 = vector.load %arg5[%get3A_31, %get3A_32] : memref<1x4xf32, #tpu.memory_space<vmem>>, vector<1x4xf32>
    %dot_general3A = arith.constant dense<0.000000e+00> : vector<2x128xf32>
    %dot_general3A_34 = tpu.matmul %mul3A_21, %get3A_24, %dot_general3A {dimension_numbers = #tpu.dot_dimension_numbers<[1], [0], [0], [1], [0, 0, 1, 1], [], []>, transpose_lhs_hint = false} : vector<2x256xf32>, vector<256x128xf32>, vector<2x128xf32> -> vector<2x128xf32>
    %add3A = vector.broadcast %get3A_27 : vector<1x128xf32> to vector<2x128xf32>
    %add3A_35 = arith.addf %dot_general3A_34, %add3A : vector<2x128xf32>
    %mul3A_36 = arith.constant 5.000000e-01 : f32
    %mul3A_37 = vector.broadcast %mul3A_36 : f32 to vector<2x128xf32>
    %mul3A_38 = arith.mulf %mul3A_37, %add3A_35 : vector<2x128xf32>
    %mul3A_39 = arith.constant 0.707106769 : f32
    %mul3A_40 = vector.broadcast %mul3A_39 : f32 to vector<2x128xf32>
    %mul3A_41 = arith.mulf %add3A_35, %mul3A_40 : vector<2x128xf32>
    %erf3A = math.erf %mul3A_41 : vector<2x128xf32>
    %add3A_42 = arith.constant 1.000000e+00 : f32
    %add3A_43 = vector.broadcast %add3A_42 : f32 to vector<2x128xf32>
    %add3A_44 = arith.addf %add3A_43, %erf3A : vector<2x128xf32>
    %mul3A_45 = arith.mulf %mul3A_38, %add3A_44 : vector<2x128xf32>
    %dot_general3A_46 = arith.constant dense<0.000000e+00> : vector<2x4xf32>
    %dot_general3A_47 = tpu.matmul %mul3A_45, %get3A_30, %dot_general3A_46 {dimension_numbers = #tpu.dot_dimension_numbers<[1], [0], [0], [1], [0, 0, 1, 1], [], []>, transpose_lhs_hint = false} : vector<2x128xf32>, vector<128x4xf32>, vector<2x4xf32> -> vector<2x4xf32>
    %add3A_48 = vector.broadcast %get3A_33 : vector<1x4xf32> to vector<2x4xf32>
    %add3A_49 = arith.addf %dot_general3A_47, %add3A_48 : vector<2x4xf32>
    %reduce_max3A = arith.constant dense<0xFF800000> : vector<2xf32>
    %reduce_max3A_50 = vector.multi_reduction <maximumf>, %add3A_49, %reduce_max3A [1] : vector<2x4xf32> to vector<2xf32>
    %broadcast_in_dim3A = vector.shape_cast %reduce_max3A_50 : vector<2xf32> to vector<2x1xf32>
    %sub3A = vector.broadcast %broadcast_in_dim3A : vector<2x1xf32> to vector<2x4xf32>
    %sub3A_51 = arith.subf %add3A_49, %sub3A : vector<2x4xf32>
    %exp3A = math.exp %sub3A_51 : vector<2x4xf32>
    %reduce_sum3A_52 = arith.constant dense<0.000000e+00> : vector<2xf32>
    %reduce_sum3A_53 = vector.multi_reduction <add>, %exp3A, %reduce_sum3A_52 [1] : vector<2x4xf32> to vector<2xf32>
    %broadcast_in_dim3A_54 = vector.shape_cast %reduce_sum3A_53 : vector<2xf32> to vector<2x1xf32>
    %div3A = vector.broadcast %broadcast_in_dim3A_54 : vector<2x1xf32> to vector<2x4xf32>
    %div3A_55 = arith.divf %exp3A, %div3A : vector<2x4xf32>
    %mul3A_56 = arith.constant 2 : i32
    %mul3A_57 = arith.muli %arg0, %mul3A_56 : i32
    %swap3A = arith.index_cast %mul3A_57 : i32 to index
    %swap3A_58 = arith.constant 0 : index
    %swap3A_59 = vector.load %arg6[%swap3A, %swap3A_58] : memref<30x4xf32, #tpu.memory_space<vmem>>, vector<2x4xf32>
    tpu.vector_store %arg6[%swap3A, %swap3A_58], %div3A_55 {strides = array<i32>} : memref<30x4xf32, #tpu.memory_space<vmem>>, vector<2x4xf32>,
    return
  }
  func.func @transform_0(%arg0: i32) -> (i32, i32, i32, i32) {
    %c0_i32 = arith.constant 0 : i32
    %c0_i32_0 = arith.constant 0 : i32
    %c0_i32_1 = arith.constant 0 : i32
    %c0_i32_2 = arith.constant 0 : i32
    return %arg0, %c0_i32, %c0_i32_0, %c0_i32_1 : i32, i32, i32, i32
  }
  func.func @transform_1(%arg0: i32) -> (i32, i32) {
    %c0_i32 = arith.constant 0 : i32
    %c0_i32_0 = arith.constant 0 : i32
    %c0_i32_1 = arith.constant 0 : i32
    return %c0_i32, %c0_i32_0 : i32, i32
  }
  func.func @transform_2(%arg0: i32) -> (i32, i32) {
    %c0_i32 = arith.constant 0 : i32
    %c0_i32_0 = arith.constant 0 : i32
    %c0_i32_1 = arith.constant 0 : i32
    return %c0_i32, %c0_i32_0 : i32, i32
  }
  func.func @transform_3(%arg0: i32) -> (i32, i32) {
    %c0_i32 = arith.constant 0 : i32
    %c0_i32_0 = arith.constant 0 : i32
    %c0_i32_1 = arith.constant 0 : i32
    return %c0_i32, %c0_i32_0 : i32, i32
  }
  func.func @transform_4(%arg0: i32) -> (i32, i32) {
    %c0_i32 = arith.constant 0 : i32
    %c0_i32_0 = arith.constant 0 : i32
    %c0_i32_1 = arith.constant 0 : i32
    return %c0_i32, %c0_i32_0 : i32, i32
  }
  func.func @transform_5(%arg0: i32) -> (i32, i32) {
    %c0_i32 = arith.constant 0 : i32
    %c0_i32_0 = arith.constant 0 : i32
    %c0_i32_1 = arith.constant 0 : i32
    return %c0_i32, %c0_i32_0 : i32, i32
  }
}

module attributes {stable_mosaic.version = 14 : i64} {
  func.func @_tc_tail_kernel(%arg0: memref<16x2x256xf32, #tpu.memory_space<vmem>>, %arg1: memref<256x128xf32, #tpu.memory_space<vmem>>, %arg2: memref<1x128xf32, #tpu.memory_space<vmem>>, %arg3: memref<128x4xf32, #tpu.memory_space<vmem>>, %arg4: memref<1x4xf32, #tpu.memory_space<vmem>>, %arg5: memref<2x4xf32, #tpu.memory_space<vmem>>) attributes {dimension_semantics = [], scalar_prefetch = 0 : i64, scratch_operands = 0 : i64, tpu.core_type = #tpu.core_type<tc>} {
    %get3A = arith.constant 0 : index
    %get3A_0 = arith.constant 0 : index
    %get3A_1 = arith.constant 0 : index
    %get3A_2 = vector.load %arg0[%get3A, %get3A_0, %get3A_1] : memref<16x2x256xf32, #tpu.memory_space<vmem>>, vector<16x2x256xf32>
    %reduce_sum3A = arith.constant dense<0.000000e+00> : vector<2x256xf32>
    %reduce_sum3A_3 = vector.multi_reduction <add>, %get3A_2, %reduce_sum3A [0] : vector<16x2x256xf32> to vector<2x256xf32>
    %mul3A = arith.constant 2.44140625E-4 : f32
    %mul3A_4 = vector.broadcast %mul3A : f32 to vector<2x256xf32>
    %mul3A_5 = arith.mulf %reduce_sum3A_3, %mul3A_4 : vector<2x256xf32>
    %get3A_6 = arith.constant 0 : index
    %get3A_7 = arith.constant 0 : index
    %get3A_8 = vector.load %arg1[%get3A_6, %get3A_7] : memref<256x128xf32, #tpu.memory_space<vmem>>, vector<256x128xf32>
    %get3A_9 = arith.constant 0 : index
    %get3A_10 = arith.constant 0 : index
    %get3A_11 = vector.load %arg2[%get3A_9, %get3A_10] : memref<1x128xf32, #tpu.memory_space<vmem>>, vector<1x128xf32>
    %get3A_12 = arith.constant 0 : index
    %get3A_13 = arith.constant 0 : index
    %get3A_14 = vector.load %arg3[%get3A_12, %get3A_13] : memref<128x4xf32, #tpu.memory_space<vmem>>, vector<128x4xf32>
    %get3A_15 = arith.constant 0 : index
    %get3A_16 = arith.constant 0 : index
    %get3A_17 = vector.load %arg4[%get3A_15, %get3A_16] : memref<1x4xf32, #tpu.memory_space<vmem>>, vector<1x4xf32>
    %dot_general3A = arith.constant dense<0.000000e+00> : vector<2x128xf32>
    %dot_general3A_18 = tpu.matmul %mul3A_5, %get3A_8, %dot_general3A {dimension_numbers = #tpu.dot_dimension_numbers<[1], [0], [0], [1], [0, 0, 1, 1], [], []>, transpose_lhs_hint = false} : vector<2x256xf32>, vector<256x128xf32>, vector<2x128xf32> -> vector<2x128xf32>
    %add3A = vector.broadcast %get3A_11 : vector<1x128xf32> to vector<2x128xf32>
    %add3A_19 = arith.addf %dot_general3A_18, %add3A : vector<2x128xf32>
    %mul3A_20 = arith.constant 5.000000e-01 : f32
    %mul3A_21 = vector.broadcast %mul3A_20 : f32 to vector<2x128xf32>
    %mul3A_22 = arith.mulf %mul3A_21, %add3A_19 : vector<2x128xf32>
    %mul3A_23 = arith.constant 0.707106769 : f32
    %mul3A_24 = vector.broadcast %mul3A_23 : f32 to vector<2x128xf32>
    %mul3A_25 = arith.mulf %add3A_19, %mul3A_24 : vector<2x128xf32>
    %erf3A = math.erf %mul3A_25 : vector<2x128xf32>
    %add3A_26 = arith.constant 1.000000e+00 : f32
    %add3A_27 = vector.broadcast %add3A_26 : f32 to vector<2x128xf32>
    %add3A_28 = arith.addf %add3A_27, %erf3A : vector<2x128xf32>
    %mul3A_29 = arith.mulf %mul3A_22, %add3A_28 : vector<2x128xf32>
    %dot_general3A_30 = arith.constant dense<0.000000e+00> : vector<2x4xf32>
    %dot_general3A_31 = tpu.matmul %mul3A_29, %get3A_14, %dot_general3A_30 {dimension_numbers = #tpu.dot_dimension_numbers<[1], [0], [0], [1], [0, 0, 1, 1], [], []>, transpose_lhs_hint = false} : vector<2x128xf32>, vector<128x4xf32>, vector<2x4xf32> -> vector<2x4xf32>
    %add3A_32 = vector.broadcast %get3A_17 : vector<1x4xf32> to vector<2x4xf32>
    %add3A_33 = arith.addf %dot_general3A_31, %add3A_32 : vector<2x4xf32>
    %reduce_max3A = arith.constant dense<0xFF800000> : vector<2xf32>
    %reduce_max3A_34 = vector.multi_reduction <maximumf>, %add3A_33, %reduce_max3A [1] : vector<2x4xf32> to vector<2xf32>
    %broadcast_in_dim3A = vector.shape_cast %reduce_max3A_34 : vector<2xf32> to vector<2x1xf32>
    %sub3A = vector.broadcast %broadcast_in_dim3A : vector<2x1xf32> to vector<2x4xf32>
    %sub3A_35 = arith.subf %add3A_33, %sub3A : vector<2x4xf32>
    %exp3A = math.exp %sub3A_35 : vector<2x4xf32>
    %reduce_sum3A_36 = arith.constant dense<0.000000e+00> : vector<2xf32>
    %reduce_sum3A_37 = vector.multi_reduction <add>, %exp3A, %reduce_sum3A_36 [1] : vector<2x4xf32> to vector<2xf32>
    %broadcast_in_dim3A_38 = vector.shape_cast %reduce_sum3A_37 : vector<2xf32> to vector<2x1xf32>
    %div3A = vector.broadcast %broadcast_in_dim3A_38 : vector<2x1xf32> to vector<2x4xf32>
    %div3A_39 = arith.divf %exp3A, %div3A : vector<2x4xf32>
    %swap3A = arith.constant 0 : index
    %swap3A_40 = arith.constant 0 : index
    %swap3A_41 = vector.load %arg5[%swap3A, %swap3A_40] : memref<2x4xf32, #tpu.memory_space<vmem>>, vector<2x4xf32>
    tpu.vector_store %arg5[%swap3A, %swap3A_40], %div3A_39 {strides = array<i32>} : memref<2x4xf32, #tpu.memory_space<vmem>>, vector<2x4xf32>,
    return
  }
}

</mosaic_0001>

<sc_bundles>
// kernel: kernel.5.cloned.1.call-start
scs
__scs_entry_jumppad:
0x0: {  	(pc) =	sbr.rel $0x88, $3  }
0x1: {  	(tag) =	ssettag $0x0;
	lr =	simm.s32 $0x1  }
0x2: {  	[smem:$0x3F9C] =	sst lr;
	_ =	strace $0xD0000000  }
0x3: {  	_ = 	snop  }
0x4: {  	_ = 	snop  }
0x5: {  	_ = 	snop  }
0x6: {  	_ = 	snop  }
0x7: {  	_ = 	snop  }
__scs_overlays_trampoline_lowered:
0x8: {  	[smem:$0x3FAB] =	sst s0  }
0x9: {  	[smem:$0x3FAC] =	sst s1  }
0xa: {  	[smem:$0x3FAD] =	sst s2  }
0xb: {  	[smem:$0x3FAE] =	sst s3  }
0xc: {  	[smem:$0x3FAF] =	sst s4  }
0xd: {  	[smem:$0x3FB0] =	sst s5  }
0xe: {  	[smem:$0x3FB1] =	sst s6  }
0xf: {  	[smem:$0x3FB2] =	sst s7  }
0x10: {  	[smem:$0x3FB3] =	sst s8  }
0x11: {  	[smem:$0x3FB4] =	sst s9;
	s0 =	simm.s32 @!p0 $0x0  }
0x12: {  	s1 =	sld [smem:$0x3F9A];
	s0 =	simm.s32 @p0 $0x1  }
0x13: {  	[smem:$0x3FB5] =	sst s0;
	s0 =	simm.s32 @!p1 $0x0  }
0x14: {  	s2 =	sld [smem:$0x3F99];
	s0 =	simm.s32 @p1 $0x1  }
0x15: {  	[smem:$0x3FB6] =	sst s0;
	s0 =	simm.s32 @!p2 $0x0  }
0x16: {  	s3 =	sld [smem:$0x3FDB];
	s0 =	simm.s32 @p2 $0x1  }
0x17: {  	s4 =	simm.s32 $0x1BF5;
	[smem:$0x3FB8] =	sst s0  }
0x18: {  	s0 =	sld [smem:$0x3F9B];
	_ =	swait.ge [sflag:s4], $0x0  }
0x19: {  	s7 =	sld [smem:$0x3F9C]  }
0x1a: {  	s8 =	sadd.s32 $0xFFFFE003, lr  }
0x1b: {  	s9 =	sadd.s32 $0xFFFFFEF7, lr;
	s5 =	simm.s32 $0xFFFFFFFF;
	p2 =	slt.u32 s8, $0xFFFFF086  }
0x1c: {  	p1 =	slt.u32 s9, $0xF7A;
	s5 =	simm.s32 @!p2 $0x0  }
0x1d: {  	s5 =	simm.s32 @p1 $0x1;
	p0 =	seq.s32 s7, s2  }
0x1e: {  	s7 =	smul.u32 @!p0 $0xF7A, s2;
	p2 =	seq.s32 @!p0 s5, $0x0  }
0x1f: {  	s9 =	smul.u32 $0xF7A, s1;
	s8 =	simm.s32 @!p0 $0x1BF5;
	p2 =	por !p2, p0  }
0x20: {  	[sflag:s8] =	ssyncset.s32 @!p0 $0xFFFFF086;
	s6 =	sadd.s32 @!p0 s3, s7;
	s7 =	simm.s32 @!p0 $0x108  }
0x21: {  	s3 =	sadd.s32 s3, s9;
	s6 =	sadd.s32 @!p0 $0x88, s6;
	s7 =	simm.s32 @p2 $0x1082  }
0x22: {  	[simem:s7], [sflag:s8] =	dma.local @!p0 [hbm:s6], $0xF7A  }
0x23: {  	s9 =	sor.u32 $0xD0000000, s2;
	s6 =	simm.s32 $0x108;
	_ =	swait.ge @!p0 [sflag:s8], $0x0  }
0x24: {  	s3 =	sadd.s32 $0x88, s3;
	s6 =	simm.s32 @!p1 $0x1082;
	[sflag:s4] =	ssyncset.s32 $0xFFFFF086  }
0x25: {  	[simem:s6], [sflag:s4] =	dma.local [hbm:s3], $0xF7A  }
0x26: {  	[smem:$0x3F9C] =	sst s1;
	(tag) =	ssettag s2;
	_ =	strace s9  }
0x27: {  	s1 =	sld [smem:$0x3FAC]  }
0x28: {  	s2 =	sld [smem:$0x3FAD]  }
0x29: {  	s4 =	sld [smem:$0x3FAF]  }
0x2a: {  	p0 =	seq.s32 s5, $0x0;
	s5 =	sld [smem:$0x3FB0]  }
0x2b: {  	s6 =	sld [smem:$0x3FB1]  }
0x2c: {  	s7 =	sld [smem:$0x3FB2]  }
0x2d: {  	s3 =	simm.s32 $0x108;
	s8 =	sld [smem:$0x3FB3]  }
0x2e: {  	s3 =	simm.s32 @!p0 $0x1082;
	s9 =	sld [smem:$0x3FB4]  }
0x2f: {  	lr =	sadd.s32 s0, s3;
	s0 =	sld [smem:$0x3FAB]  }
0x30: {  	s3 =	sld [smem:$0x3FAE]  }
0x31: {  	[smem:$0x3FB7] =	sst s10  }
0x32: {  	s10 =	sld [smem:$0x3FB5];
	_ =	sdelay $0x3  }
0x33: {  	p0 =	seq.s32 s10, $0x1;
	s10 =	sld [smem:$0x3FB7];
	_ =	sdelay $0x3  }
0x34: {  	[smem:$0x3FB7] =	sst s10  }
0x35: {  	s10 =	sld [smem:$0x3FB6];
	_ =	sdelay $0x3  }
0x36: {  	p1 =	seq.s32 s10, $0x1;
	s10 =	sld [smem:$0x3FB7];
	_ =	sdelay $0x3  }
0x37: {  	[smem:$0x3FB7] =	sst s10  }
0x38: {  	s10 =	sld [smem:$0x3FB8]  }
0x39: {  	_ = 	snop;
	(pc) =	sbr.ind lr, $3  }
0x3a: {  	_ = 	snop  }
0x3b: {  	_ = 	snop  }
0x3c: {  	p2 =	seq.s32 s10, $0x1;
	s10 =	sld [smem:$0x3FB7]  }
0x3d: {  	_ =	shalt  }
0x3e: {  	_ =	shalt  }
0x3f: {  	_ =	shalt  }
0x40: {  	_ =	shalt  }
0x41: {  	_ =	shalt  }
0x42: {  	_ =	shalt  }
0x43: {  	_ =	shalt  }
0x44: {  	_ =	shalt  }
0x45: {  	_ =	shalt  }
0x46: {  	_ =	shalt  }
0x47: {  	_ =	shalt  }
0x48: {  	_ =	shalt  }
0x49: {  	_ =	shalt  }
0x4a: {  	_ =	shalt  }
0x4b: {  	_ =	shalt  }
0x4c: {  	_ =	shalt  }
0x4d: {  	_ =	shalt  }
0x4e: {  	_ =	shalt  }
0x4f: {  	_ =	shalt  }
0x50: {  	_ =	shalt  }
0x51: {  	_ =	shalt  }
0x52: {  	_ =	shalt  }
0x53: {  	_ =	shalt  }
0x54: {  	_ =	shalt  }
0x55: {  	_ =	shalt  }
0x56: {  	_ =	shalt  }
0x57: {  	_ =	shalt  }
0x58: {  	_ =	shalt  }
0x59: {  	_ =	shalt  }
0x5a: {  	_ =	shalt  }
0x5b: {  	_ =	shalt  }
0x5c: {  	_ =	shalt  }
0x5d: {  	_ =	shalt  }
0x5e: {  	_ =	shalt  }
0x5f: {  	_ =	shalt  }
0x60: {  	_ =	shalt  }
0x61: {  	_ =	shalt  }
0x62: {  	_ =	shalt  }
0x63: {  	_ =	shalt  }
0x64: {  	_ =	shalt  }
0x65: {  	_ =	shalt  }
0x66: {  	_ =	shalt  }
0x67: {  	_ =	shalt  }
0x68: {  	_ =	shalt  }
0x69: {  	_ =	shalt  }
0x6a: {  	_ =	shalt  }
0x6b: {  	_ =	shalt  }
0x6c: {  	_ =	shalt  }
0x6d: {  	_ =	shalt  }
0x6e: {  	_ =	shalt  }
0x6f: {  	_ =	shalt  }
0x70: {  	_ =	shalt  }
0x71: {  	_ =	shalt  }
0x72: {  	_ =	shalt  }
0x73: {  	_ =	shalt  }
0x74: {  	_ =	shalt  }
0x75: {  	_ =	shalt  }
0x76: {  	_ =	shalt  }
0x77: {  	_ =	shalt  }
0x78: {  	_ =	shalt  }
0x79: {  	_ =	shalt  }
0x7a: {  	_ =	shalt  }
0x7b: {  	_ =	shalt  }
0x7c: {  	_ =	shalt  }
0x7d: {  	_ =	shalt  }
0x7e: {  	_ =	shalt  }
0x7f: {  	_ =	shalt  }
0x80: {  	_ =	shalt  }
0x81: {  	_ =	shalt  }
0x82: {  	_ =	shalt  }
0x83: {  	_ =	shalt  }
0x84: {  	_ =	shalt  }
0x85: {  	_ =	shalt  }
0x86: {  	_ =	shalt  }
0x87: {  	_ =	shalt  }
.Lfunc_end0:
.L_simem_size_0:
called_computation_lowered:
.L_overlay_start_0:
0x88: {  	s2 =	sld [smem:$0x3FD9]  }
0x89: {  	s3 =	sld [smem:$0x3FFE];
	_ =	sdelay $0x1  }
0x8a: {  	s1 =	srdreg.scid  }
0x8b: {  	s0 =	sand.u32 $0x1, s1  }
0x8c: {  	s17 =	sshll.u32 s0, $0xA;
	s2 =	sadd.s32 s3, s2  }
0x8d: {  	s2 =	sadd.s32 s2, s17  }
0x8e: {  	[smem:$0x3FC3] =	sst s2  }
0x8f: {  	_ = 	snop  }
0x90: {  	s2 =	sld [smem:$0x3FC9];
	(tm) =	ssettm $0x1  }
0x91: {  	s18 =	sld [smem:$0x3FFB];
	_ =	sdelay $0x3  }
0x92: {  	_ =	strace s18  }
0x93: {  	s3 =	sld [smem:$0x3FFC];
	_ =	sdelay $0x3  }
0x94: {  	_ =	strace s3  }
0x95: {  	s3 =	sld [smem:$0x3FFD];
	_ =	sdelay $0x3  }
0x96: {  	_ =	strace s3  }
0x97: {  	_ =	strace $0x8FFFFFFF  }
0x98: {  	s19 =	sld [smem:$0x3FDB];
	_ =	sdelay $0x1  }
0x99: {  	s4 =	simm.s32 $_scs_section_size  }
0x9a: {  	s5 =	simm.s32 $_size__tile_overlayer_lowered;
	s6 =	simm.s32 $_tile_overlayer_lowered  }
0x9b: {  	s22 =	simm.s32 $0x1BFF;
	s21 =	sshll.u32 s6, $0x1;
	s3 =	sadd.s32 s4, s19  }
0x9c: {  	s7 =	simm.s32 $0x0;
	s20 =	sshll.u32 s5, $0x1;
	s5 =	sadd.s32 s21, s3  }
0x9d: {  	[timem:s7], [sflag:s22] =	dma.local [hbm:s5], s20  }
0x9e: {  	_ =	swait.ge [sflag:s22], s20  }
0x9f: {  	s4 =	ssub.s32 $0x0, s20;
	[sflag:s22] =	ssyncset.done $0x0  }
0xa0: {  	[sflag:s22] =	ssyncadd.s32 s4;
	_ =	sdelay $0x1  }
0xa1: {  	s23 =	simm.s32 $0x1B8B  }
0xa2: {  	_ =	swait.ge [sflag:s23], $0x1  }
0xa3: {  	[sflag:s23] =	ssyncset.done $0x0  }
0xa4: {  	s25 =	simm.s32 $0x1B8E;
	s24 =	sld [smem:$0x3FFE];
	[sflag:s23] =	ssyncadd.s32 $0xFFFFFFFF  }
0xa5: {  	s26 =	simm.s32 $execute0_lowered;
	[smem:$0x3FD2] =	sst s25  }
0xa6: {  	s5 =	sshll.u32 s26, $0x1;
	_ =	strace $0x80000046;
	[dreg:$0x1] =	wrdreg $0xFFFFFFFF  }
0xa7: {  	s28 =	simm.s32 $_size_execute0_lowered;
	s3 =	sadd.s32 s3, s5;
	[dreg:$0x0] =	wrdreg $0x0  }
0xa8: {  	s5 =	sshll.u32 s28, $0x1;
	[dreg:$0x2] =	wrdreg s3  }
0xa9: {  	[dreg:$0x3] =	wrdreg s5  }
0xaa: {  	[dreg:$0x4] =	wrdreg $0xC0  }
0xab: {  	_ =	task [dreg:s7], $0x5FFFF  }
0xac: {  	[dreg:$0x1] =	wrdreg $0xFFFFFFFF  }
0xad: {  	[dreg:$0x0] =	wrdreg $0x60  }
0xae: {  	[dreg:$0x2] =	wrdreg s2  }
0xaf: {  	[dreg:$0x3] =	wrdreg s24  }
0xb0: {  	[dreg:$0x4] =	wrdreg $0x9  }
0xb1: {  	_ =	task.clear_ibuf [dreg:s7], $0x5FFFF;
	_ =	strace $0x90000046  }
0xb2: {  	s29 =	simm.s32 $0x9;
	_ =	strace $0x80000048  }
0xb3: {  	_ =	swait.ge [sflag:s29], $0x1  }
0xb4: {  	[sflag:s29] =	ssyncadd.s32 $0xFFFFFFFF  }
0xb5: {  	_ =	strace $0x90000048  }
0xb6: {  	_ =	sfence  }
0xb7: {  	s30 =	sld [smem:$0x0];
	_ =	sdelay $0x2  }
0xb8: {  	s31 =	sshll.u32 s1, $0xD;
	s1 =	sshrl.u32 s1, $0x2  }
0xb9: {  	s3 =	sand.u32 $0x4000, s31;
	s1 =	sadd.s32 s1, s30  }
0xba: {  	s0 =	sor.u32 s3, s0;
	s1 =	sshll.u32 s1, $0x11  }
0xbb: {  	s0 =	sor.u32 s1, s0  }
0xbc: {  	s0 =	sadd.s32 $0x8F2B, s0  }
0xbd: {  	[sflag:s0] =	ssyncadd.remote.s32 $0x1  }
0xbe: {  	_ =	sfence.sel $0xFFFF  }
0xbf: {  	[dreg:$0x0] =	wrdreg $0xFFFFFFFF;
	(pc) =	sbr.abs _section_cstart, $3  }
0xc0: {  	[dreg:$0x1] =	wrdreg $0xFFFFFFFF  }
0xc1: {  	_ =	task.clear_ibuf [dreg:s7], $0x2FFFF;
	_ =	strace $0x9FFFFFFF  }
0xc2: {  	(tm) =	ssettm $0x7FFFFFFF  }
0xc3: {  	_ =	shalt  }
tec
execute0_lowered:
.L_overlay_start_1:
0x0: {  	(tag) =	ssettag $0x1  }
0x1: {  	s0 =	rddreg [dreg:$0x0]  }
0x2: {  	s1 =	rddreg [dreg:$0x1]  }
0x3: {  	s4 =	stileid.u32;
	s8 =	simm.s32 $0x0;
	s2 =	srdreg.scid  }
0x4: {  	s14 =	simm.s32 $0x10040;
	s15 =	simm.s32 $0x10050;
	s16 =	simm.s32 $0x10060  }
0x5: {  	s17 =	simm.s32 $0x10070;
	s18 =	simm.s32 $0x10400;
	s19 =	simm.s32 $0x10410  }
0x6: {  	s20 =	simm.s32 $0x10420;
	s21 =	simm.s32 $0x10430;
	s22 =	simm.s32 $0x10440  }
0x7: {  	s23 =	simm.s32 $0x10450;
	s3 =	sshll.u32 s4, $0x1;
	[smem:$0x7FF] =	sst s8  }
0x8: {  	s2 =	sand.u32 $0x1, s2;
	s4 =	sshrl.u32 s4, $0x3;
	s3 =	sand.u32 $0xE, s3  }
0x9: {  	_ =	strace $0x80000047;
	s6 =	sshll.u32 s4, $0x14;
	s4 =	sshll.u32 s4, $0x4  }
0xa: {  	s3 =	sor.u32 s2, s3;
	s2 =	ssub.s32 $0x2, s2;
	s1 =	sadd.s32 s4, s1  }
0xb: {  	s5 =	sshll.u32 s3, $0x10;
	s7 =	sshrl.u32 s2, $0x1;
	s3 =	sshll.u32 s3, $0x6  }
0xc: {  	s5 =	sor.u32 s5, s6;
	s2 =	ssub.s32 s2, s7;
	s1 =	sadd.s32 s3, s1  }
0xd: {  	s29 =	sor.u32 $0x1E00000, s5;
	s5 =	sshrl.u32 s5, $0x3;
	s30 =	sadd.s32 $0xE00, s1  }
0xe: {  	s31 =	smax.u32 s2, $0x1;
	s4 =	sshrl.u32 s29, $0x3;
	[dreg:$0x5] =	wrdreg s30  }
0xf: {  	[dreg:$0x6] =	wrdreg s31;
	s4 =	sadd.s32 s0, s4;
	s0 =	sadd.s32 s5, s0  }
0x10: {  	s24 =	simm.s32 $0x10460;
	[dreg:$0x3] =	wrdreg s4;
	s0 =	sadd.s32 $0x3C1000, s0  }
0x11: {  	v0 =	vimm.f32 $0.0e+00;
	s25 =	simm.s32 $0x10470;
	s2 =	simm.s32 $0x0;
	[dreg:$0x4] =	wrdreg s0  }
.LBB2_1:
0x12: {  	s0 =	sand.u32 $0x3800, s8;
	s1 =	sand.u32 $0x380, s8  }
0x13: {  	s0 =	sor.u32 s1, s0  }
0x14: {  	[tilespmem:s0+$0x10470] =	vst v0  }
0x15: {  	[tilespmem:s0+$0x10000] =	vst v0  }
0x16: {  	[tilespmem:s0+$0x10010] =	vst v0  }
0x17: {  	[tilespmem:s0+$0x10020] =	vst v0  }
0x18: {  	[tilespmem:s0+$0x10030] =	vst v0  }
0x19: {  	[tilespmem:s0+$0x10040] =	vst v0  }
0x1a: {  	[tilespmem:s0+$0x10050] =	vst v0  }
0x1b: {  	[tilespmem:s0+$0x10060] =	vst v0  }
0x1c: {  	[tilespmem:s0+$0x10070] =	vst v0  }
0x1d: {  	[tilespmem:s0+$0x10400] =	vst v0  }
0x1e: {  	[tilespmem:s0+$0x10410] =	vst v0  }
0x1f: {  	[tilespmem:s0+$0x10420] =	vst v0  }
0x20: {  	[tilespmem:s0+$0x10430] =	vst v0  }
0x21: {  	[dreg:$0x7] =	wrdreg s2;
	s31 =	simm.s32 $0x100;
	s1 =	simm.s32 $0x80;
	[tilespmem:s0+$0x10440] =	vst v0  }
0x22: {  	s2 =	simm.s32 $0x200;
	s3 =	sand.u32 $0x3800, s31;
	s4 =	sand.u32 $0x380, s1;
	[tilespmem:s0+$0x10450] =	vst v0  }
.LBB2_2:
0x23: {  	p0 =	sne.s32 s2, $0x3F00;
	[tilespmem:s0+$0x10460] =	vst v0;
	s0 =	sor.u32 s4, s3  }
0x24: {  	[tilespmem:s0+$0x10470] =	vst v0  }
0x25: {  	[tilespmem:s0+$0x10000] =	vst v0  }
0x26: {  	[tilespmem:s0+$0x10010] =	vst v0  }
0x27: {  	[tilespmem:s0+$0x10020] =	vst v0  }
0x28: {  	[tilespmem:s0+$0x10030] =	vst v0  }
0x29: {  	[tilespmem:s0+$0x10040] =	vst v0  }
0x2a: {  	[tilespmem:s0+$0x10050] =	vst v0  }
0x2b: {  	[tilespmem:s0+$0x10060] =	vst v0  }
0x2c: {  	[tilespmem:s0+$0x10070] =	vst v0  }
0x2d: {  	[tilespmem:s0+$0x10400] =	vst v0  }
.Ltmp0:
0x2e: {  	[tilespmem:s0+$0x10410] =	vst v0;
	(pc) =	sbr.rel @p0 .LBB2_2-.Ltmp0, $4  }
0x2f: {  	[tilespmem:s0+$0x10420] =	vst v0  }
0x30: {  	[tilespmem:s0+$0x10430] =	vst v0  }
0x31: {  	s1 =	sadd.s32 $0x80, s1;
	[tilespmem:s0+$0x10440] =	vst v0  }
0x32: {  	s3 =	sand.u32 $0x3800, s2;
	s2 =	sadd.s32 $0x100, s2;
	s4 =	sand.u32 $0x380, s1;
	[tilespmem:s0+$0x10450] =	vst v0  }
0x33: {  	s1 =	sor.u32 s4, s3;
	[tilespmem:s0+$0x10460] =	vst v0  }
0x34: {  	[tilespmem:s1+$0x10470] =	vst v0  }
0x35: {  	[tilespmem:s1+$0x10000] =	vst v0  }
0x36: {  	[tilespmem:s1+$0x10010] =	vst v0  }
0x37: {  	[tilespmem:s1+$0x10020] =	vst v0  }
0x38: {  	[tilespmem:s1+$0x10030] =	vst v0  }
0x39: {  	[tilespmem:s1+$0x10040] =	vst v0  }
0x3a: {  	[tilespmem:s1+$0x10050] =	vst v0  }
0x3b: {  	[tilespmem:s1+$0x10060] =	vst v0  }
0x3c: {  	[tilespmem:s1+$0x10070] =	vst v0  }
0x3d: {  	[tilespmem:s1+$0x10400] =	vst v0  }
0x3e: {  	[tilespmem:s1+$0x10410] =	vst v0  }
0x3f: {  	[tilespmem:s1+$0x10420] =	vst v0  }
0x40: {  	[tilespmem:s1+$0x10430] =	vst v0  }
0x41: {  	[tilespmem:s1+$0x10440] =	vst v0  }
0x42: {  	[tilespmem:s1+$0x10450] =	vst v0  }
0x43: {  	s13 =	simm.s32 $0x0;
	s26 =	rddreg [dreg:$0x3];
	s28 =	simm.s32 $0x1;
	[tilespmem:s1+$0x10460] =	vst v0  }
0x44: {  	[tilespmem:s13], [sflag:$0x1] =	stream.linear.gather [hbm4b:s26+s13], $0x8000, $0x38;
	[tilespmem:$0x14000] =	vst v63  }
0x45: {  	_ =	swait.ge [sflag:s28], $0x8000  }
0x46: {  	[sflag:s28] =	ssyncset.done $0x0  }
0x47: {  	s2 =	simm.s32 $0x8000;
	s31 =	rddreg [dreg:$0x4];
	[sflag:s28] =	ssyncadd.s32 $0xFFFF8000  }
0x48: {  	[tilespmem:s2], [sflag:$0x2] =	stream.linear.gather [hbm4b:s31+s13], $0x8000, $0x38;
	[tilespmem:$0x14000] =	vst v63  }
0x49: {  	s0 =	sand.u32 $0x380, s13;
	s2 =	sand.u32 $0x3800, s13  }
0x4a: {  	s1 =	sor.u32 s0, s2  }
0x4b: {  	v1 =	vld [tilespmem:s1+$0x0];
	_ =	sdelay $0x3  }
0x4c: {  	s3 =	sor.u32 $0x10000, s1  }
0x4d: {  	[tilespmem:s3+$0x0] =	vst.add.f32.msk $0xffff, v1  }
0x4e: {  	v1 =	vld [tilespmem:s1+$0x10];
	_ =	sdelay $0x3  }
0x4f: {  	s4 =	sor.u32 $0x10010, s1  }
0x50: {  	[tilespmem:s4+$0x0] =	vst.add.f32.msk $0xffff, v1  }
0x51: {  	v1 =	vld [tilespmem:s1+$0x20];
	_ =	sdelay $0x3  }
0x52: {  	s31 =	sor.u32 $0x10020, s1  }
0x53: {  	[tilespmem:s31+$0x0] =	vst.add.f32.msk $0xffff, v1  }
0x54: {  	v1 =	vld [tilespmem:s1+$0x30];
	_ =	sdelay $0x3  }
0x55: {  	s5 =	sor.u32 $0x10030, s1  }
0x56: {  	[tilespmem:s5+$0x0] =	vst.add.f32.msk $0xffff, v1  }
0x57: {  	v1 =	vld [tilespmem:s1+$0x40];
	_ =	sdelay $0x3  }
0x58: {  	s6 =	sor.u32 $0x10040, s1  }
0x59: {  	[tilespmem:s6+$0x0] =	vst.add.f32.msk $0xffff, v1  }
0x5a: {  	v1 =	vld [tilespmem:s1+$0x50];
	_ =	sdelay $0x3  }
0x5b: {  	s7 =	sor.u32 $0x10050, s1  }
0x5c: {  	[tilespmem:s7+$0x0] =	vst.add.f32.msk $0xffff, v1  }
0x5d: {  	v1 =	vld [tilespmem:s1+$0x60];
	_ =	sdelay $0x3  }
0x5e: {  	s8 =	sor.u32 $0x10060, s1  }
0x5f: {  	[tilespmem:s8+$0x0] =	vst.add.f32.msk $0xffff, v1  }
0x60: {  	v1 =	vld [tilespmem:s1+$0x70];
	_ =	sdelay $0x3  }
0x61: {  	s9 =	sor.u32 $0x10070, s1  }
0x62: {  	[tilespmem:s9+$0x0] =	vst.add.f32.msk $0xffff, v1  }
0x63: {  	v1 =	vld [tilespmem:s1+$0x400];
	_ =	sdelay $0x3  }
0x64: {  	s10 =	sor.u32 $0x10400, s1  }
0x65: {  	[tilespmem:s10+$0x0] =	vst.add.f32.msk $0xffff, v1  }
0x66: {  	v1 =	vld [tilespmem:s1+$0x410];
	_ =	sdelay $0x3  }
0x67: {  	s11 =	sor.u32 $0x10410, s1  }
0x68: {  	[tilespmem:s11+$0x0] =	vst.add.f32.msk $0xffff, v1  }
0x69: {  	v1 =	vld [tilespmem:s1+$0x420];
	_ =	sdelay $0x3  }
0x6a: {  	s12 =	sor.u32 $0x10420, s1  }
0x6b: {  	[tilespmem:s12+$0x0] =	vst.add.f32.msk $0xffff, v1  }
0x6c: {  	v1 =	vld [tilespmem:s1+$0x430];
	_ =	sdelay $0x3  }
0x6d: {  	s13 =	sor.u32 $0x10430, s1  }
0x6e: {  	[tilespmem:s13+$0x0] =	vst.add.f32.msk $0xffff, v1  }
0x6f: {  	v1 =	vld [tilespmem:s1+$0x440];
	_ =	sdelay $0x3  }
0x70: {  	s26 =	sor.u32 $0x10440, s1  }
0x71: {  	[tilespmem:s26+$0x0] =	vst.add.f32.msk $0xffff, v1  }
0x72: {  	v1 =	vld [tilespmem:s1+$0x450];
	_ =	sdelay $0x3  }
0x73: {  	s28 =	sor.u32 $0x10450, s1  }
0x74: {  	[tilespmem:s28+$0x0] =	vst.add.f32.msk $0xffff, v1  }
0x75: {  	v1 =	vld [tilespmem:s1+$0x460];
	_ =	sdelay $0x3  }
0x76: {  	s29 =	sor.u32 $0x10460, s1  }
0x77: {  	[tilespmem:s29+$0x0] =	vst.add.f32.msk $0xffff, v1  }
0x78: {  	v1 =	vld [tilespmem:s1+$0x470];
	_ =	sdelay $0x3  }
0x79: {  	s0 =	sor.u32 $0x10470, s1  }
0x7a: {  	[tilespmem:s0+$0x0] =	vst.add.f32.msk $0xffff, v1  }
0x7b: {  	v1 =	vld [tilespmem:s1+$0x4000];
	_ =	sdelay $0x4  }
0x7c: {  	[tilespmem:s3+$0x0] =	vst.add.f32.msk $0xffff, v1  }
0x7d: {  	v1 =	vld [tilespmem:s1+$0x4010];
	_ =	sdelay $0x4  }
0x7e: {  	[tilespmem:s4+$0x0] =	vst.add.f32.msk $0xffff, v1  }
0x7f: {  	v1 =	vld [tilespmem:s1+$0x4020];
	_ =	sdelay $0x4  }
0x80: {  	[tilespmem:s31+$0x0] =	vst.add.f32.msk $0xffff, v1  }
0x81: {  	v1 =	vld [tilespmem:s1+$0x4030];
	_ =	sdelay $0x4  }
0x82: {  	[tilespmem:s5+$0x0] =	vst.add.f32.msk $0xffff, v1  }
0x83: {  	v1 =	vld [tilespmem:s1+$0x4040];
	_ =	sdelay $0x4  }
0x84: {  	[tilespmem:s6+$0x0] =	vst.add.f32.msk $0xffff, v1  }
0x85: {  	v1 =	vld [tilespmem:s1+$0x4050];
	_ =	sdelay $0x4  }
0x86: {  	[tilespmem:s7+$0x0] =	vst.add.f32.msk $0xffff, v1  }
0x87: {  	v1 =	vld [tilespmem:s1+$0x4060];
	_ =	sdelay $0x4  }
0x88: {  	[tilespmem:s8+$0x0] =	vst.add.f32.msk $0xffff, v1  }
0x89: {  	v1 =	vld [tilespmem:s1+$0x4070];
	_ =	sdelay $0x4  }
0x8a: {  	[tilespmem:s9+$0x0] =	vst.add.f32.msk $0xffff, v1  }
0x8b: {  	v1 =	vld [tilespmem:s1+$0x4400];
	_ =	sdelay $0x4  }
0x8c: {  	[tilespmem:s10+$0x0] =	vst.add.f32.msk $0xffff, v1  }
0x8d: {  	v1 =	vld [tilespmem:s1+$0x4410];
	_ =	sdelay $0x4  }
0x8e: {  	[tilespmem:s11+$0x0] =	vst.add.f32.msk $0xffff, v1  }
0x8f: {  	v1 =	vld [tilespmem:s1+$0x4420];
	_ =	sdelay $0x4  }
0x90: {  	[tilespmem:s12+$0x0] =	vst.add.f32.msk $0xffff, v1  }
0x91: {  	v1 =	vld [tilespmem:s1+$0x4430];
	_ =	sdelay $0x4  }
0x92: {  	[tilespmem:s13+$0x0] =	vst.add.f32.msk $0xffff, v1  }
0x93: {  	v1 =	vld [tilespmem:s1+$0x4440];
	_ =	sdelay $0x4  }
0x94: {  	[tilespmem:s26+$0x0] =	vst.add.f32.msk $0xffff, v1  }
0x95: {  	v1 =	vld [tilespmem:s1+$0x4450];
	_ =	sdelay $0x4  }
0x96: {  	[tilespmem:s28+$0x0] =	vst.add.f32.msk $0xffff, v1  }
0x97: {  	v1 =	vld [tilespmem:s1+$0x4460];
	_ =	sdelay $0x4  }
0x98: {  	[tilespmem:s29+$0x0] =	vst.add.f32.msk $0xffff, v1  }
0x99: {  	v1 =	vld [tilespmem:s1+$0x4470];
	_ =	sdelay $0x2  }
0x9a: {  	s31 =	simm.s32 $0x100;
	s29 =	simm.s32 $0x80  }
0x9b: {  	s30 =	simm.s32 $0x200;
	s1 =	sand.u32 $0x3800, s31;
	s2 =	sand.u32 $0x380, s29  }
.LBB2_4:
0x9c: {  	p0 =	sne.s32 s30, $0x3F00;
	s31 =	sor.u32 s2, s1;
	[tilespmem:s0+$0x0] =	vst.add.f32.msk $0xffff, v1  }
0x9d: {  	v1 =	vld [tilespmem:s31+$0x0];
	_ =	sdelay $0x3  }
0x9e: {  	s1 =	sor.u32 $0x10000, s31  }
0x9f: {  	[tilespmem:s1+$0x0] =	vst.add.f32.msk $0xffff, v1  }
0xa0: {  	v1 =	vld [tilespmem:s31+$0x10];
	_ =	sdelay $0x3  }
0xa1: {  	s8 =	sor.u32 $0x10010, s31  }
0xa2: {  	[tilespmem:s8+$0x0] =	vst.add.f32.msk $0xffff, v1  }
0xa3: {  	v1 =	vld [tilespmem:s31+$0x20];
	_ =	sdelay $0x3  }
0xa4: {  	s3 =	sor.u32 $0x10020, s31  }
0xa5: {  	[tilespmem:s3+$0x0] =	vst.add.f32.msk $0xffff, v1  }
0xa6: {  	v1 =	vld [tilespmem:s31+$0x30];
	_ =	sdelay $0x3  }
0xa7: {  	s4 =	sor.u32 $0x10030, s31  }
0xa8: {  	[tilespmem:s4+$0x0] =	vst.add.f32.msk $0xffff, v1  }
0xa9: {  	v1 =	vld [tilespmem:s31+$0x40];
	_ =	sdelay $0x3  }
0xaa: {  	s6 =	sor.u32 $0x10040, s31  }
0xab: {  	[tilespmem:s6+$0x0] =	vst.add.f32.msk $0xffff, v1  }
0xac: {  	v1 =	vld [tilespmem:s31+$0x50];
	_ =	sdelay $0x3  }
0xad: {  	s7 =	sor.u32 $0x10050, s31  }
0xae: {  	[tilespmem:s7+$0x0] =	vst.add.f32.msk $0xffff, v1  }
0xaf: {  	v1 =	vld [tilespmem:s31+$0x60];
	_ =	sdelay $0x3  }
0xb0: {  	s9 =	sor.u32 $0x10060, s31  }
0xb1: {  	[tilespmem:s9+$0x0] =	vst.add.f32.msk $0xffff, v1  }
0xb2: {  	v1 =	vld [tilespmem:s31+$0x70];
	_ =	sdelay $0x3  }
0xb3: {  	s26 =	sor.u32 $0x10070, s31  }
0xb4: {  	[tilespmem:s26+$0x0] =	vst.add.f32.msk $0xffff, v1  }
0xb5: {  	v1 =	vld [tilespmem:s31+$0x400];
	_ =	sdelay $0x3  }
0xb6: {  	s2 =	sor.u32 $0x10400, s31  }
0xb7: {  	[tilespmem:s2+$0x0] =	vst.add.f32.msk $0xffff, v1  }
0xb8: {  	v1 =	vld [tilespmem:s31+$0x410];
	_ =	sdelay $0x3  }
0xb9: {  	s5 =	sor.u32 $0x10410, s31  }
0xba: {  	[tilespmem:s5+$0x0] =	vst.add.f32.msk $0xffff, v1  }
0xbb: {  	v1 =	vld [tilespmem:s31+$0x420];
	_ =	sdelay $0x3  }
0xbc: {  	s28 =	sor.u32 $0x10420, s31  }
0xbd: {  	[tilespmem:s28+$0x0] =	vst.add.f32.msk $0xffff, v1  }
0xbe: {  	v1 =	vld [tilespmem:s31+$0x430];
	_ =	sdelay $0x3  }
0xbf: {  	s11 =	sor.u32 $0x10430, s31  }
0xc0: {  	[tilespmem:s11+$0x0] =	vst.add.f32.msk $0xffff, v1  }
0xc1: {  	v1 =	vld [tilespmem:s31+$0x440];
	_ =	sdelay $0x3  }
0xc2: {  	s10 =	sor.u32 $0x10440, s31  }
0xc3: {  	[tilespmem:s10+$0x0] =	vst.add.f32.msk $0xffff, v1  }
0xc4: {  	v1 =	vld [tilespmem:s31+$0x450];
	_ =	sdelay $0x3  }
0xc5: {  	s12 =	sor.u32 $0x10450, s31  }
0xc6: {  	[tilespmem:s12+$0x0] =	vst.add.f32.msk $0xffff, v1  }
0xc7: {  	v1 =	vld [tilespmem:s31+$0x460];
	_ =	sdelay $0x3  }
0xc8: {  	s13 =	sor.u32 $0x10460, s31  }
0xc9: {  	[tilespmem:s13+$0x0] =	vst.add.f32.msk $0xffff, v1  }
0xca: {  	v1 =	vld [tilespmem:s31+$0x470];
	_ =	sdelay $0x3  }
0xcb: {  	s0 =	sor.u32 $0x10470, s31  }
0xcc: {  	[tilespmem:s0+$0x0] =	vst.add.f32.msk $0xffff, v1  }
0xcd: {  	v1 =	vld [tilespmem:s31+$0x4000];
	_ =	sdelay $0x4  }
0xce: {  	[tilespmem:s1+$0x0] =	vst.add.f32.msk $0xffff, v1  }
0xcf: {  	v1 =	vld [tilespmem:s31+$0x4010];
	_ =	sdelay $0x4  }
0xd0: {  	[tilespmem:s8+$0x0] =	vst.add.f32.msk $0xffff, v1  }
0xd1: {  	v1 =	vld [tilespmem:s31+$0x4020];
	_ =	sdelay $0x4  }
0xd2: {  	[tilespmem:s3+$0x0] =	vst.add.f32.msk $0xffff, v1  }
0xd3: {  	v1 =	vld [tilespmem:s31+$0x4030];
	_ =	sdelay $0x4  }
0xd4: {  	[tilespmem:s4+$0x0] =	vst.add.f32.msk $0xffff, v1  }
0xd5: {  	v1 =	vld [tilespmem:s31+$0x4040];
	_ =	sdelay $0x4  }
0xd6: {  	[tilespmem:s6+$0x0] =	vst.add.f32.msk $0xffff, v1  }
0xd7: {  	v1 =	vld [tilespmem:s31+$0x4050];
	_ =	sdelay $0x4  }
0xd8: {  	[tilespmem:s7+$0x0] =	vst.add.f32.msk $0xffff, v1  }
0xd9: {  	v1 =	vld [tilespmem:s31+$0x4060];
	_ =	sdelay $0x4  }
0xda: {  	[tilespmem:s9+$0x0] =	vst.add.f32.msk $0xffff, v1  }
0xdb: {  	v1 =	vld [tilespmem:s31+$0x4070];
	_ =	sdelay $0x4  }
0xdc: {  	[tilespmem:s26+$0x0] =	vst.add.f32.msk $0xffff, v1  }
0xdd: {  	v1 =	vld [tilespmem:s31+$0x4400];
	_ =	sdelay $0x4  }
0xde: {  	[tilespmem:s2+$0x0] =	vst.add.f32.msk $0xffff, v1  }
0xdf: {  	v1 =	vld [tilespmem:s31+$0x4410];
	_ =	sdelay $0x4  }
0xe0: {  	[tilespmem:s5+$0x0] =	vst.add.f32.msk $0xffff, v1  }
0xe1: {  	v1 =	vld [tilespmem:s31+$0x4420];
	_ =	sdelay $0x4  }
0xe2: {  	[tilespmem:s28+$0x0] =	vst.add.f32.msk $0xffff, v1  }
0xe3: {  	v1 =	vld [tilespmem:s31+$0x4430];
	_ =	sdelay $0x4  }
0xe4: {  	[tilespmem:s11+$0x0] =	vst.add.f32.msk $0xffff, v1  }
0xe5: {  	v1 =	vld [tilespmem:s31+$0x4440];
	_ =	sdelay $0x4  }
0xe6: {  	[tilespmem:s10+$0x0] =	vst.add.f32.msk $0xffff, v1  }
0xe7: {  	v1 =	vld [tilespmem:s31+$0x4450];
	_ =	sdelay $0x4  }
0xe8: {  	[tilespmem:s12+$0x0] =	vst.add.f32.msk $0xffff, v1  }
0xe9: {  	v1 =	vld [tilespmem:s31+$0x4460];
	_ =	sdelay $0x4  }
0xea: {  	[tilespmem:s13+$0x0] =	vst.add.f32.msk $0xffff, v1  }
.Ltmp1:
0xeb: {  	v1 =	vld [tilespmem:s31+$0x4470];
	(pc) =	sbr.rel @p0 .LBB2_4-.Ltmp1, $3  }
0xec: {  	_ =	sdelay $0x1  }
0xed: {  	s29 =	sadd.s32 $0x80, s29  }
0xee: {  	s1 =	sand.u32 $0x3800, s30;
	s30 =	sadd.s32 $0x100, s30;
	s2 =	sand.u32 $0x380, s29  }
0xef: {  	s1 =	sor.u32 s2, s1;
	[tilespmem:s0+$0x0] =	vst.add.f32.msk $0xffff, v1  }
0xf0: {  	v1 =	vld [tilespmem:s1+$0x0];
	_ =	sdelay $0x3  }
0xf1: {  	s31 =	sor.u32 $0x10000, s1  }
0xf2: {  	[tilespmem:s31+$0x0] =	vst.add.f32.msk $0xffff, v1  }
0xf3: {  	v1 =	vld [tilespmem:s1+$0x10];
	_ =	sdelay $0x3  }
0xf4: {  	s2 =	sor.u32 $0x10010, s1  }
0xf5: {  	[tilespmem:s2+$0x0] =	vst.add.f32.msk $0xffff, v1  }
0xf6: {  	v1 =	vld [tilespmem:s1+$0x20];
	_ =	sdelay $0x3  }
0xf7: {  	s3 =	sor.u32 $0x10020, s1  }
0xf8: {  	[tilespmem:s3+$0x0] =	vst.add.f32.msk $0xffff, v1  }
0xf9: {  	v1 =	vld [tilespmem:s1+$0x30];
	_ =	sdelay $0x3  }
0xfa: {  	s4 =	sor.u32 $0x10030, s1  }
0xfb: {  	[tilespmem:s4+$0x0] =	vst.add.f32.msk $0xffff, v1  }
0xfc: {  	v1 =	vld [tilespmem:s1+$0x40];
	_ =	sdelay $0x3  }
0xfd: {  	s5 =	sor.u32 $0x10040, s1  }
0xfe: {  	[tilespmem:s5+$0x0] =	vst.add.f32.msk $0xffff, v1  }
0xff: {  	v1 =	vld [tilespmem:s1+$0x50];
	_ =	sdelay $0x3  }
0x100: {  	s6 =	sor.u32 $0x10050, s1  }
0x101: {  	[tilespmem:s6+$0x0] =	vst.add.f32.msk $0xffff, v1  }
0x102: {  	v1 =	vld [tilespmem:s1+$0x60];
	_ =	sdelay $0x3  }
0x103: {  	s7 =	sor.u32 $0x10060, s1  }
0x104: {  	[tilespmem:s7+$0x0] =	vst.add.f32.msk $0xffff, v1  }
0x105: {  	v1 =	vld [tilespmem:s1+$0x70];
	_ =	sdelay $0x3  }
0x106: {  	s8 =	sor.u32 $0x10070, s1  }
0x107: {  	[tilespmem:s8+$0x0] =	vst.add.f32.msk $0xffff, v1  }
0x108: {  	v1 =	vld [tilespmem:s1+$0x400];
	_ =	sdelay $0x3  }
0x109: {  	s9 =	sor.u32 $0x10400, s1  }
0x10a: {  	[tilespmem:s9+$0x0] =	vst.add.f32.msk $0xffff, v1  }
0x10b: {  	v1 =	vld [tilespmem:s1+$0x410];
	_ =	sdelay $0x3  }
0x10c: {  	s10 =	sor.u32 $0x10410, s1  }
0x10d: {  	[tilespmem:s10+$0x0] =	vst.add.f32.msk $0xffff, v1  }
0x10e: {  	v1 =	vld [tilespmem:s1+$0x420];
	_ =	sdelay $0x3  }
0x10f: {  	s11 =	sor.u32 $0x10420, s1  }
0x110: {  	[tilespmem:s11+$0x0] =	vst.add.f32.msk $0xffff, v1  }
0x111: {  	v1 =	vld [tilespmem:s1+$0x430];
	_ =	sdelay $0x3  }
0x112: {  	s12 =	sor.u32 $0x10430, s1  }
0x113: {  	[tilespmem:s12+$0x0] =	vst.add.f32.msk $0xffff, v1  }
0x114: {  	v1 =	vld [tilespmem:s1+$0x440];
	_ =	sdelay $0x3  }
0x115: {  	s13 =	sor.u32 $0x10440, s1  }
0x116: {  	[tilespmem:s13+$0x0] =	vst.add.f32.msk $0xffff, v1  }
0x117: {  	v1 =	vld [tilespmem:s1+$0x450];
	_ =	sdelay $0x3  }
0x118: {  	s26 =	sor.u32 $0x10450, s1  }
0x119: {  	[tilespmem:s26+$0x0] =	vst.add.f32.msk $0xffff, v1  }
0x11a: {  	v1 =	vld [tilespmem:s1+$0x460];
	_ =	sdelay $0x3  }
0x11b: {  	s28 =	sor.u32 $0x10460, s1  }
0x11c: {  	[tilespmem:s28+$0x0] =	vst.add.f32.msk $0xffff, v1  }
0x11d: {  	v1 =	vld [tilespmem:s1+$0x470];
	_ =	sdelay $0x3  }
0x11e: {  	s29 =	sor.u32 $0x10470, s1  }
0x11f: {  	[tilespmem:s29+$0x0] =	vst.add.f32.msk $0xffff, v1  }
0x120: {  	v1 =	vld [tilespmem:s1+$0x4000];
	_ =	sdelay $0x4  }
0x121: {  	[tilespmem:s31+$0x0] =	vst.add.f32.msk $0xffff, v1  }
0x122: {  	v1 =	vld [tilespmem:s1+$0x4010];
	_ =	sdelay $0x4  }
0x123: {  	[tilespmem:s2+$0x0] =	vst.add.f32.msk $0xffff, v1  }
0x124: {  	v1 =	vld [tilespmem:s1+$0x4020];
	_ =	sdelay $0x4  }
0x125: {  	[tilespmem:s3+$0x0] =	vst.add.f32.msk $0xffff, v1  }
0x126: {  	v1 =	vld [tilespmem:s1+$0x4030];
	_ =	sdelay $0x4  }
0x127: {  	[tilespmem:s4+$0x0] =	vst.add.f32.msk $0xffff, v1  }
0x128: {  	v1 =	vld [tilespmem:s1+$0x4040];
	_ =	sdelay $0x4  }
0x129: {  	[tilespmem:s5+$0x0] =	vst.add.f32.msk $0xffff, v1  }
0x12a: {  	v1 =	vld [tilespmem:s1+$0x4050];
	_ =	sdelay $0x4  }
0x12b: {  	[tilespmem:s6+$0x0] =	vst.add.f32.msk $0xffff, v1  }
0x12c: {  	v1 =	vld [tilespmem:s1+$0x4060];
	_ =	sdelay $0x4  }
0x12d: {  	[tilespmem:s7+$0x0] =	vst.add.f32.msk $0xffff, v1  }
0x12e: {  	v1 =	vld [tilespmem:s1+$0x4070];
	_ =	sdelay $0x4  }
0x12f: {  	[tilespmem:s8+$0x0] =	vst.add.f32.msk $0xffff, v1  }
0x130: {  	v1 =	vld [tilespmem:s1+$0x4400];
	_ =	sdelay $0x4  }
0x131: {  	[tilespmem:s9+$0x0] =	vst.add.f32.msk $0xffff, v1  }
0x132: {  	v1 =	vld [tilespmem:s1+$0x4410];
	_ =	sdelay $0x4  }
0x133: {  	[tilespmem:s10+$0x0] =	vst.add.f32.msk $0xffff, v1  }
0x134: {  	v1 =	vld [tilespmem:s1+$0x4420];
	_ =	sdelay $0x4  }
0x135: {  	[tilespmem:s11+$0x0] =	vst.add.f32.msk $0xffff, v1  }
0x136: {  	v1 =	vld [tilespmem:s1+$0x4430];
	_ =	sdelay $0x4  }
0x137: {  	[tilespmem:s12+$0x0] =	vst.add.f32.msk $0xffff, v1  }
0x138: {  	v1 =	vld [tilespmem:s1+$0x4440];
	_ =	sdelay $0x4  }
0x139: {  	[tilespmem:s13+$0x0] =	vst.add.f32.msk $0xffff, v1  }
0x13a: {  	v1 =	vld [tilespmem:s1+$0x4450];
	_ =	sdelay $0x4  }
0x13b: {  	[tilespmem:s26+$0x0] =	vst.add.f32.msk $0xffff, v1  }
0x13c: {  	v1 =	vld [tilespmem:s1+$0x4460];
	_ =	sdelay $0x4  }
0x13d: {  	[tilespmem:s28+$0x0] =	vst.add.f32.msk $0xffff, v1  }
0x13e: {  	v1 =	vld [tilespmem:s1+$0x4470];
	_ =	sdelay $0x4  }
0x13f: {  	s13 =	simm.s32 $0x2;
	[tilespmem:s29+$0x0] =	vst.add.f32.msk $0xffff, v1  }
0x140: {  	s26 =	simm.s32 $0x0;
	_ =	swait.ge [sflag:s13], $0x8000  }
0x141: {  	s0 =	sand.u32 $0x380, s26;
	s28 =	sand.u32 $0x3800, s26;
	[sflag:s13] =	ssyncset.done $0x0  }
0x142: {  	s1 =	sor.u32 s0, s28;
	[sflag:s13] =	ssyncadd.s32 $0xFFFF8000  }
0x143: {  	v1 =	vld [tilespmem:s1+$0x8000];
	_ =	sdelay $0x3  }
0x144: {  	s2 =	sor.u32 $0x10000, s1  }
0x145: {  	[tilespmem:s2+$0x0] =	vst.add.f32.msk $0xffff, v1  }
0x146: {  	v1 =	vld [tilespmem:s1+$0x8010];
	_ =	sdelay $0x3  }
0x147: {  	s3 =	sor.u32 $0x10010, s1  }
0x148: {  	[tilespmem:s3+$0x0] =	vst.add.f32.msk $0xffff, v1  }
0x149: {  	v1 =	vld [tilespmem:s1+$0x8020];
	_ =	sdelay $0x3  }
0x14a: {  	s4 =	sor.u32 $0x10020, s1  }
0x14b: {  	[tilespmem:s4+$0x0] =	vst.add.f32.msk $0xffff, v1  }
0x14c: {  	v1 =	vld [tilespmem:s1+$0x8030];
	_ =	sdelay $0x3  }
0x14d: {  	s5 =	sor.u32 $0x10030, s1  }
0x14e: {  	[tilespmem:s5+$0x0] =	vst.add.f32.msk $0xffff, v1  }
0x14f: {  	v1 =	vld [tilespmem:s1+$0x8040];
	_ =	sdelay $0x3  }
0x150: {  	s6 =	sor.u32 $0x10040, s1  }
0x151: {  	[tilespmem:s6+$0x0] =	vst.add.f32.msk $0xffff, v1  }
0x152: {  	v1 =	vld [tilespmem:s1+$0x8050];
	_ =	sdelay $0x3  }
0x153: {  	s7 =	sor.u32 $0x10050, s1  }
0x154: {  	[tilespmem:s7+$0x0] =	vst.add.f32.msk $0xffff, v1  }
0x155: {  	v1 =	vld [tilespmem:s1+$0x8060];
	_ =	sdelay $0x3  }
0x156: {  	s8 =	sor.u32 $0x10060, s1  }
0x157: {  	[tilespmem:s8+$0x0] =	vst.add.f32.msk $0xffff, v1  }
0x158: {  	v1 =	vld [tilespmem:s1+$0x8070];
	_ =	sdelay $0x3  }
0x159: {  	s9 =	sor.u32 $0x10070, s1  }
0x15a: {  	[tilespmem:s9+$0x0] =	vst.add.f32.msk $0xffff, v1  }
0x15b: {  	v1 =	vld [tilespmem:s1+$0x8400];
	_ =	sdelay $0x3  }
0x15c: {  	s10 =	sor.u32 $0x10400, s1  }
0x15d: {  	[tilespmem:s10+$0x0] =	vst.add.f32.msk $0xffff, v1  }
0x15e: {  	v1 =	vld [tilespmem:s1+$0x8410];
	_ =	sdelay $0x3  }
0x15f: {  	s11 =	sor.u32 $0x10410, s1  }
0x160: {  	[tilespmem:s11+$0x0] =	vst.add.f32.msk $0xffff, v1  }
0x161: {  	v1 =	vld [tilespmem:s1+$0x8420];
	_ =	sdelay $0x3  }
0x162: {  	s12 =	sor.u32 $0x10420, s1  }
0x163: {  	[tilespmem:s12+$0x0] =	vst.add.f32.msk $0xffff, v1  }
0x164: {  	v1 =	vld [tilespmem:s1+$0x8430];
	_ =	sdelay $0x3  }
0x165: {  	s13 =	sor.u32 $0x10430, s1  }
0x166: {  	[tilespmem:s13+$0x0] =	vst.add.f32.msk $0xffff, v1  }
0x167: {  	v1 =	vld [tilespmem:s1+$0x8440];
	_ =	sdelay $0x3  }
0x168: {  	s26 =	sor.u32 $0x10440, s1  }
0x169: {  	[tilespmem:s26+$0x0] =	vst.add.f32.msk $0xffff, v1  }
0x16a: {  	v1 =	vld [tilespmem:s1+$0x8450];
	_ =	sdelay $0x3  }
0x16b: {  	s31 =	sor.u32 $0x10450, s1  }
0x16c: {  	[tilespmem:s31+$0x0] =	vst.add.f32.msk $0xffff, v1  }
0x16d: {  	v1 =	vld [tilespmem:s1+$0x8460];
	_ =	sdelay $0x3  }
0x16e: {  	s29 =	sor.u32 $0x10460, s1  }
0x16f: {  	[tilespmem:s29+$0x0] =	vst.add.f32.msk $0xffff, v1  }
0x170: {  	v1 =	vld [tilespmem:s1+$0x8470];
	_ =	sdelay $0x3  }
0x171: {  	s0 =	sor.u32 $0x10470, s1  }
0x172: {  	[tilespmem:s0+$0x0] =	vst.add.f32.msk $0xffff, v1  }
0x173: {  	v1 =	vld [tilespmem:s1+$0xC000];
	_ =	sdelay $0x4  }
0x174: {  	[tilespmem:s2+$0x0] =	vst.add.f32.msk $0xffff, v1  }
0x175: {  	v1 =	vld [tilespmem:s1+$0xC010];
	_ =	sdelay $0x4  }
0x176: {  	[tilespmem:s3+$0x0] =	vst.add.f32.msk $0xffff, v1  }
0x177: {  	v1 =	vld [tilespmem:s1+$0xC020];
	_ =	sdelay $0x4  }
0x178: {  	[tilespmem:s4+$0x0] =	vst.add.f32.msk $0xffff, v1  }
0x179: {  	v1 =	vld [tilespmem:s1+$0xC030];
	_ =	sdelay $0x4  }
0x17a: {  	[tilespmem:s5+$0x0] =	vst.add.f32.msk $0xffff, v1  }
0x17b: {  	v1 =	vld [tilespmem:s1+$0xC040];
	_ =	sdelay $0x4  }
0x17c: {  	[tilespmem:s6+$0x0] =	vst.add.f32.msk $0xffff, v1  }
0x17d: {  	v1 =	vld [tilespmem:s1+$0xC050];
	_ =	sdelay $0x4  }
0x17e: {  	[tilespmem:s7+$0x0] =	vst.add.f32.msk $0xffff, v1  }
0x17f: {  	v1 =	vld [tilespmem:s1+$0xC060];
	_ =	sdelay $0x4  }
0x180: {  	[tilespmem:s8+$0x0] =	vst.add.f32.msk $0xffff, v1  }
0x181: {  	v1 =	vld [tilespmem:s1+$0xC070];
	_ =	sdelay $0x4  }
0x182: {  	[tilespmem:s9+$0x0] =	vst.add.f32.msk $0xffff, v1  }
0x183: {  	v1 =	vld [tilespmem:s1+$0xC400];
	_ =	sdelay $0x4  }
0x184: {  	[tilespmem:s10+$0x0] =	vst.add.f32.msk $0xffff, v1  }
0x185: {  	v1 =	vld [tilespmem:s1+$0xC410];
	_ =	sdelay $0x4  }
0x186: {  	[tilespmem:s11+$0x0] =	vst.add.f32.msk $0xffff, v1  }
0x187: {  	v1 =	vld [tilespmem:s1+$0xC420];
	_ =	sdelay $0x4  }
0x188: {  	[tilespmem:s12+$0x0] =	vst.add.f32.msk $0xffff, v1  }
0x189: {  	v1 =	vld [tilespmem:s1+$0xC430];
	_ =	sdelay $0x4  }
0x18a: {  	[tilespmem:s13+$0x0] =	vst.add.f32.msk $0xffff, v1  }
0x18b: {  	v1 =	vld [tilespmem:s1+$0xC440];
	_ =	sdelay $0x4  }
0x18c: {  	[tilespmem:s26+$0x0] =	vst.add.f32.msk $0xffff, v1  }
0x18d: {  	v1 =	vld [tilespmem:s1+$0xC450];
	_ =	sdelay $0x4  }
0x18e: {  	[tilespmem:s31+$0x0] =	vst.add.f32.msk $0xffff, v1  }
0x18f: {  	v1 =	vld [tilespmem:s1+$0xC460];
	_ =	sdelay $0x4  }
0x190: {  	[tilespmem:s29+$0x0] =	vst.add.f32.msk $0xffff, v1  }
0x191: {  	v1 =	vld [tilespmem:s1+$0xC470];
	_ =	sdelay $0x2  }
0x192: {  	s31 =	simm.s32 $0x100;
	s29 =	simm.s32 $0x80  }
0x193: {  	s30 =	simm.s32 $0x200;
	s1 =	sand.u32 $0x3800, s31;
	s2 =	sand.u32 $0x380, s29  }
.LBB2_6:
0x194: {  	p0 =	sne.s32 s30, $0x3F00;
	s31 =	sor.u32 s2, s1;
	[tilespmem:s0+$0x0] =	vst.add.f32.msk $0xffff, v1  }
0x195: {  	v1 =	vld [tilespmem:s31+$0x8000];
	_ =	sdelay $0x3  }
0x196: {  	s1 =	sor.u32 $0x10000, s31  }
0x197: {  	[tilespmem:s1+$0x0] =	vst.add.f32.msk $0xffff, v1  }
0x198: {  	v1 =	vld [tilespmem:s31+$0x8010];
	_ =	sdelay $0x3  }
0x199: {  	s8 =	sor.u32 $0x10010, s31  }
0x19a: {  	[tilespmem:s8+$0x0] =	vst.add.f32.msk $0xffff, v1  }
0x19b: {  	v1 =	vld [tilespmem:s31+$0x8020];
	_ =	sdelay $0x3  }
0x19c: {  	s3 =	sor.u32 $0x10020, s31  }
0x19d: {  	[tilespmem:s3+$0x0] =	vst.add.f32.msk $0xffff, v1  }
0x19e: {  	v1 =	vld [tilespmem:s31+$0x8030];
	_ =	sdelay $0x3  }
0x19f: {  	s4 =	sor.u32 $0x10030, s31  }
0x1a0: {  	[tilespmem:s4+$0x0] =	vst.add.f32.msk $0xffff, v1  }
0x1a1: {  	v1 =	vld [tilespmem:s31+$0x8040];
	_ =	sdelay $0x3  }
0x1a2: {  	s6 =	sor.u32 $0x10040, s31  }
0x1a3: {  	[tilespmem:s6+$0x0] =	vst.add.f32.msk $0xffff, v1  }
0x1a4: {  	v1 =	vld [tilespmem:s31+$0x8050];
	_ =	sdelay $0x3  }
0x1a5: {  	s7 =	sor.u32 $0x10050, s31  }
0x1a6: {  	[tilespmem:s7+$0x0] =	vst.add.f32.msk $0xffff, v1  }
0x1a7: {  	v1 =	vld [tilespmem:s31+$0x8060];
	_ =	sdelay $0x3  }
0x1a8: {  	s9 =	sor.u32 $0x10060, s31  }
0x1a9: {  	[tilespmem:s9+$0x0] =	vst.add.f32.msk $0xffff, v1  }
0x1aa: {  	v1 =	vld [tilespmem:s31+$0x8070];
	_ =	sdelay $0x3  }
0x1ab: {  	s26 =	sor.u32 $0x10070, s31  }
0x1ac: {  	[tilespmem:s26+$0x0] =	vst.add.f32.msk $0xffff, v1  }
0x1ad: {  	v1 =	vld [tilespmem:s31+$0x8400];
	_ =	sdelay $0x3  }
0x1ae: {  	s2 =	sor.u32 $0x10400, s31  }
0x1af: {  	[tilespmem:s2+$0x0] =	vst.add.f32.msk $0xffff, v1  }
0x1b0: {  	v1 =	vld [tilespmem:s31+$0x8410];
	_ =	sdelay $0x3  }
0x1b1: {  	s5 =	sor.u32 $0x10410, s31  }
0x1b2: {  	[tilespmem:s5+$0x0] =	vst.add.f32.msk $0xffff, v1  }
0x1b3: {  	v1 =	vld [tilespmem:s31+$0x8420];
	_ =	sdelay $0x3  }
0x1b4: {  	s28 =	sor.u32 $0x10420, s31  }
0x1b5: {  	[tilespmem:s28+$0x0] =	vst.add.f32.msk $0xffff, v1  }
0x1b6: {  	v1 =	vld [tilespmem:s31+$0x8430];
	_ =	sdelay $0x3  }
0x1b7: {  	s11 =	sor.u32 $0x10430, s31  }
0x1b8: {  	[tilespmem:s11+$0x0] =	vst.add.f32.msk $0xffff, v1  }
0x1b9: {  	v1 =	vld [tilespmem:s31+$0x8440];
	_ =	sdelay $0x3  }
0x1ba: {  	s10 =	sor.u32 $0x10440, s31  }
0x1bb: {  	[tilespmem:s10+$0x0] =	vst.add.f32.msk $0xffff, v1  }
0x1bc: {  	v1 =	vld [tilespmem:s31+$0x8450];
	_ =	sdelay $0x3  }
0x1bd: {  	s12 =	sor.u32 $0x10450, s31  }
0x1be: {  	[tilespmem:s12+$0x0] =	vst.add.f32.msk $0xffff, v1  }
0x1bf: {  	v1 =	vld [tilespmem:s31+$0x8460];
	_ =	sdelay $0x3  }
0x1c0: {  	s13 =	sor.u32 $0x10460, s31  }
0x1c1: {  	[tilespmem:s13+$0x0] =	vst.add.f32.msk $0xffff, v1  }
0x1c2: {  	v1 =	vld [tilespmem:s31+$0x8470];
	_ =	sdelay $0x3  }
0x1c3: {  	s0 =	sor.u32 $0x10470, s31  }
0x1c4: {  	[tilespmem:s0+$0x0] =	vst.add.f32.msk $0xffff, v1  }
0x1c5: {  	v1 =	vld [tilespmem:s31+$0xC000];
	_ =	sdelay $0x4  }
0x1c6: {  	[tilespmem:s1+$0x0] =	vst.add.f32.msk $0xffff, v1  }
0x1c7: {  	v1 =	vld [tilespmem:s31+$0xC010];
	_ =	sdelay $0x4  }
0x1c8: {  	[tilespmem:s8+$0x0] =	vst.add.f32.msk $0xffff, v1  }
0x1c9: {  	v1 =	vld [tilespmem:s31+$0xC020];
	_ =	sdelay $0x4  }
0x1ca: {  	[tilespmem:s3+$0x0] =	vst.add.f32.msk $0xffff, v1  }
0x1cb: {  	v1 =	vld [tilespmem:s31+$0xC030];
	_ =	sdelay $0x4  }
0x1cc: {  	[tilespmem:s4+$0x0] =	vst.add.f32.msk $0xffff, v1  }
0x1cd: {  	v1 =	vld [tilespmem:s31+$0xC040];
	_ =	sdelay $0x4  }
0x1ce: {  	[tilespmem:s6+$0x0] =	vst.add.f32.msk $0xffff, v1  }
0x1cf: {  	v1 =	vld [tilespmem:s31+$0xC050];
	_ =	sdelay $0x4  }
0x1d0: {  	[tilespmem:s7+$0x0] =	vst.add.f32.msk $0xffff, v1  }
0x1d1: {  	v1 =	vld [tilespmem:s31+$0xC060];
	_ =	sdelay $0x4  }
0x1d2: {  	[tilespmem:s9+$0x0] =	vst.add.f32.msk $0xffff, v1  }
0x1d3: {  	v1 =	vld [tilespmem:s31+$0xC070];
	_ =	sdelay $0x4  }
0x1d4: {  	[tilespmem:s26+$0x0] =	vst.add.f32.msk $0xffff, v1  }
0x1d5: {  	v1 =	vld [tilespmem:s31+$0xC400];
	_ =	sdelay $0x4  }
0x1d6: {  	[tilespmem:s2+$0x0] =	vst.add.f32.msk $0xffff, v1  }
0x1d7: {  	v1 =	vld [tilespmem:s31+$0xC410];
	_ =	sdelay $0x4  }
0x1d8: {  	[tilespmem:s5+$0x0] =	vst.add.f32.msk $0xffff, v1  }
0x1d9: {  	v1 =	vld [tilespmem:s31+$0xC420];
	_ =	sdelay $0x4  }
0x1da: {  	[tilespmem:s28+$0x0] =	vst.add.f32.msk $0xffff, v1  }
0x1db: {  	v1 =	vld [tilespmem:s31+$0xC430];
	_ =	sdelay $0x4  }
0x1dc: {  	[tilespmem:s11+$0x0] =	vst.add.f32.msk $0xffff, v1  }
0x1dd: {  	v1 =	vld [tilespmem:s31+$0xC440];
	_ =	sdelay $0x4  }
0x1de: {  	[tilespmem:s10+$0x0] =	vst.add.f32.msk $0xffff, v1  }
0x1df: {  	v1 =	vld [tilespmem:s31+$0xC450];
	_ =	sdelay $0x4  }
0x1e0: {  	[tilespmem:s12+$0x0] =	vst.add.f32.msk $0xffff, v1  }
0x1e1: {  	v1 =	vld [tilespmem:s31+$0xC460];
	_ =	sdelay $0x4  }
0x1e2: {  	[tilespmem:s13+$0x0] =	vst.add.f32.msk $0xffff, v1  }
.Ltmp2:
0x1e3: {  	v1 =	vld [tilespmem:s31+$0xC470];
	(pc) =	sbr.rel @p0 .LBB2_6-.Ltmp2, $3  }
0x1e4: {  	_ =	sdelay $0x1  }
0x1e5: {  	s29 =	sadd.s32 $0x80, s29  }
0x1e6: {  	s1 =	sand.u32 $0x3800, s30;
	s30 =	sadd.s32 $0x100, s30;
	s2 =	sand.u32 $0x380, s29  }
0x1e7: {  	s1 =	sor.u32 s2, s1;
	[tilespmem:s0+$0x0] =	vst.add.f32.msk $0xffff, v1  }
0x1e8: {  	v1 =	vld [tilespmem:s1+$0x8000];
	_ =	sdelay $0x3  }
0x1e9: {  	s31 =	sor.u32 $0x10000, s1  }
0x1ea: {  	[tilespmem:s31+$0x0] =	vst.add.f32.msk $0xffff, v1  }
0x1eb: {  	v1 =	vld [tilespmem:s1+$0x8010];
	_ =	sdelay $0x3  }
0x1ec: {  	s2 =	sor.u32 $0x10010, s1  }
0x1ed: {  	[tilespmem:s2+$0x0] =	vst.add.f32.msk $0xffff, v1  }
0x1ee: {  	v1 =	vld [tilespmem:s1+$0x8020];
	_ =	sdelay $0x3  }
0x1ef: {  	s3 =	sor.u32 $0x10020, s1  }
0x1f0: {  	[tilespmem:s3+$0x0] =	vst.add.f32.msk $0xffff, v1  }
0x1f1: {  	v1 =	vld [tilespmem:s1+$0x8030];
	_ =	sdelay $0x3  }
0x1f2: {  	s4 =	sor.u32 $0x10030, s1  }
0x1f3: {  	[tilespmem:s4+$0x0] =	vst.add.f32.msk $0xffff, v1  }
0x1f4: {  	v1 =	vld [tilespmem:s1+$0x8040];
	_ =	sdelay $0x3  }
0x1f5: {  	s5 =	sor.u32 $0x10040, s1  }
0x1f6: {  	[tilespmem:s5+$0x0] =	vst.add.f32.msk $0xffff, v1  }
0x1f7: {  	v1 =	vld [tilespmem:s1+$0x8050];
	_ =	sdelay $0x3  }
0x1f8: {  	s6 =	sor.u32 $0x10050, s1  }
0x1f9: {  	[tilespmem:s6+$0x0] =	vst.add.f32.msk $0xffff, v1  }
0x1fa: {  	v1 =	vld [tilespmem:s1+$0x8060];
	_ =	sdelay $0x3  }
0x1fb: {  	s7 =	sor.u32 $0x10060, s1  }
0x1fc: {  	[tilespmem:s7+$0x0] =	vst.add.f32.msk $0xffff, v1  }
0x1fd: {  	v1 =	vld [tilespmem:s1+$0x8070];
	_ =	sdelay $0x3  }
0x1fe: {  	s8 =	sor.u32 $0x10070, s1  }
0x1ff: {  	[tilespmem:s8+$0x0] =	vst.add.f32.msk $0xffff, v1  }
0x200: {  	v1 =	vld [tilespmem:s1+$0x8400];
	_ =	sdelay $0x3  }
0x201: {  	s9 =	sor.u32 $0x10400, s1  }
0x202: {  	[tilespmem:s9+$0x0] =	vst.add.f32.msk $0xffff, v1  }
0x203: {  	v1 =	vld [tilespmem:s1+$0x8410];
	_ =	sdelay $0x3  }
0x204: {  	s10 =	sor.u32 $0x10410, s1  }
0x205: {  	[tilespmem:s10+$0x0] =	vst.add.f32.msk $0xffff, v1  }
0x206: {  	v1 =	vld [tilespmem:s1+$0x8420];
	_ =	sdelay $0x3  }
0x207: {  	s11 =	sor.u32 $0x10420, s1  }
0x208: {  	[tilespmem:s11+$0x0] =	vst.add.f32.msk $0xffff, v1  }
0x209: {  	v1 =	vld [tilespmem:s1+$0x8430];
	_ =	sdelay $0x3  }
0x20a: {  	s12 =	sor.u32 $0x10430, s1  }
0x20b: {  	[tilespmem:s12+$0x0] =	vst.add.f32.msk $0xffff, v1  }
0x20c: {  	v1 =	vld [tilespmem:s1+$0x8440];
	_ =	sdelay $0x3  }
0x20d: {  	s13 =	sor.u32 $0x10440, s1  }
0x20e: {  	[tilespmem:s13+$0x0] =	vst.add.f32.msk $0xffff, v1  }
0x20f: {  	v1 =	vld [tilespmem:s1+$0x8450];
	_ =	sdelay $0x3  }
0x210: {  	s26 =	sor.u32 $0x10450, s1  }
0x211: {  	[tilespmem:s26+$0x0] =	vst.add.f32.msk $0xffff, v1  }
0x212: {  	v1 =	vld [tilespmem:s1+$0x8460];
	_ =	sdelay $0x3  }
0x213: {  	s28 =	sor.u32 $0x10460, s1  }
0x214: {  	[tilespmem:s28+$0x0] =	vst.add.f32.msk $0xffff, v1  }
0x215: {  	v1 =	vld [tilespmem:s1+$0x8470];
	_ =	sdelay $0x3  }
0x216: {  	s29 =	sor.u32 $0x10470, s1  }
0x217: {  	[tilespmem:s29+$0x0] =	vst.add.f32.msk $0xffff, v1  }
0x218: {  	v1 =	vld [tilespmem:s1+$0xC000];
	_ =	sdelay $0x4  }
0x219: {  	[tilespmem:s31+$0x0] =	vst.add.f32.msk $0xffff, v1  }
0x21a: {  	v1 =	vld [tilespmem:s1+$0xC010];
	_ =	sdelay $0x4  }
0x21b: {  	[tilespmem:s2+$0x0] =	vst.add.f32.msk $0xffff, v1  }
0x21c: {  	v1 =	vld [tilespmem:s1+$0xC020];
	_ =	sdelay $0x4  }
0x21d: {  	[tilespmem:s3+$0x0] =	vst.add.f32.msk $0xffff, v1  }
0x21e: {  	v1 =	vld [tilespmem:s1+$0xC030];
	_ =	sdelay $0x4  }
0x21f: {  	[tilespmem:s4+$0x0] =	vst.add.f32.msk $0xffff, v1  }
0x220: {  	v1 =	vld [tilespmem:s1+$0xC040];
	_ =	sdelay $0x4  }
0x221: {  	[tilespmem:s5+$0x0] =	vst.add.f32.msk $0xffff, v1  }
0x222: {  	v1 =	vld [tilespmem:s1+$0xC050];
	_ =	sdelay $0x4  }
0x223: {  	[tilespmem:s6+$0x0] =	vst.add.f32.msk $0xffff, v1  }
0x224: {  	v1 =	vld [tilespmem:s1+$0xC060];
	_ =	sdelay $0x4  }
0x225: {  	[tilespmem:s7+$0x0] =	vst.add.f32.msk $0xffff, v1  }
0x226: {  	v1 =	vld [tilespmem:s1+$0xC070];
	_ =	sdelay $0x4  }
0x227: {  	[tilespmem:s8+$0x0] =	vst.add.f32.msk $0xffff, v1  }
0x228: {  	v1 =	vld [tilespmem:s1+$0xC400];
	_ =	sdelay $0x4  }
0x229: {  	[tilespmem:s9+$0x0] =	vst.add.f32.msk $0xffff, v1  }
0x22a: {  	v1 =	vld [tilespmem:s1+$0xC410];
	_ =	sdelay $0x4  }
0x22b: {  	[tilespmem:s10+$0x0] =	vst.add.f32.msk $0xffff, v1  }
0x22c: {  	v1 =	vld [tilespmem:s1+$0xC420];
	_ =	sdelay $0x4  }
0x22d: {  	[tilespmem:s11+$0x0] =	vst.add.f32.msk $0xffff, v1  }
0x22e: {  	v1 =	vld [tilespmem:s1+$0xC430];
	_ =	sdelay $0x4  }
0x22f: {  	[tilespmem:s12+$0x0] =	vst.add.f32.msk $0xffff, v1  }
0x230: {  	v1 =	vld [tilespmem:s1+$0xC440];
	_ =	sdelay $0x4  }
0x231: {  	[tilespmem:s13+$0x0] =	vst.add.f32.msk $0xffff, v1  }
0x232: {  	v1 =	vld [tilespmem:s1+$0xC450];
	_ =	sdelay $0x4  }
0x233: {  	[tilespmem:s26+$0x0] =	vst.add.f32.msk $0xffff, v1  }
0x234: {  	v1 =	vld [tilespmem:s1+$0xC460];
	_ =	sdelay $0x4  }
0x235: {  	[tilespmem:s28+$0x0] =	vst.add.f32.msk $0xffff, v1  }
0x236: {  	v1 =	vld [tilespmem:s1+$0xC470];
	_ =	sdelay $0x2  }
0x237: {  	s30 =	simm.s32 $0x80;
	s28 =	simm.s32 $0x100  }
0x238: {  	s0 =	sand.u32 $0x3800, s28;
	s1 =	sand.u32 $0x380, s30  }
0x239: {  	s1 =	sor.u32 s1, s0;
	[tilespmem:s29+$0x0] =	vst.add.f32.msk $0xffff, v1  }
0x23a: {  	v1 =	vld [tilespmem:s1+$0x10000];
	_ =	sdelay $0x3  }
0x23b: {  	s4 =	simm.s32 $0x10000  }
0x23c: {  	[tilespmem:s4+$0x0] =	vst.add.f32.msk $0xffff, v1  }
0x23d: {  	v1 =	vld [tilespmem:s1+$0x10010];
	_ =	sdelay $0x3  }
0x23e: {  	s5 =	simm.s32 $0x10010  }
0x23f: {  	[tilespmem:s5+$0x0] =	vst.add.f32.msk $0xffff, v1  }
0x240: {  	v1 =	vld [tilespmem:s1+$0x10020];
	_ =	sdelay $0x3  }
0x241: {  	s6 =	simm.s32 $0x10020  }
0x242: {  	[tilespmem:s6+$0x0] =	vst.add.f32.msk $0xffff, v1  }
0x243: {  	v1 =	vld [tilespmem:s1+$0x10030];
	_ =	sdelay $0x3  }
0x244: {  	s7 =	simm.s32 $0x10030  }
0x245: {  	[tilespmem:s7+$0x0] =	vst.add.f32.msk $0xffff, v1  }
0x246: {  	v1 =	vld [tilespmem:s1+$0x10040];
	_ =	sdelay $0x4  }
0x247: {  	[tilespmem:s14+$0x0] =	vst.add.f32.msk $0xffff, v1  }
0x248: {  	v1 =	vld [tilespmem:s1+$0x10050];
	_ =	sdelay $0x4  }
0x249: {  	[tilespmem:s15+$0x0] =	vst.add.f32.msk $0xffff, v1  }
0x24a: {  	v1 =	vld [tilespmem:s1+$0x10060];
	_ =	sdelay $0x4  }
0x24b: {  	[tilespmem:s16+$0x0] =	vst.add.f32.msk $0xffff, v1  }
0x24c: {  	v1 =	vld [tilespmem:s1+$0x10070];
	_ =	sdelay $0x4  }
0x24d: {  	[tilespmem:s17+$0x0] =	vst.add.f32.msk $0xffff, v1  }
0x24e: {  	v1 =	vld [tilespmem:s1+$0x10400];
	_ =	sdelay $0x4  }
0x24f: {  	[tilespmem:s18+$0x0] =	vst.add.f32.msk $0xffff, v1  }
0x250: {  	v1 =	vld [tilespmem:s1+$0x10410];
	_ =	sdelay $0x4  }
0x251: {  	[tilespmem:s19+$0x0] =	vst.add.f32.msk $0xffff, v1  }
0x252: {  	v1 =	vld [tilespmem:s1+$0x10420];
	_ =	sdelay $0x4  }
0x253: {  	[tilespmem:s20+$0x0] =	vst.add.f32.msk $0xffff, v1  }
0x254: {  	v1 =	vld [tilespmem:s1+$0x10430];
	_ =	sdelay $0x4  }
0x255: {  	[tilespmem:s21+$0x0] =	vst.add.f32.msk $0xffff, v1  }
0x256: {  	v1 =	vld [tilespmem:s1+$0x10440];
	_ =	sdelay $0x4  }
0x257: {  	[tilespmem:s22+$0x0] =	vst.add.f32.msk $0xffff, v1  }
0x258: {  	v1 =	vld [tilespmem:s1+$0x10450];
	_ =	sdelay $0x4  }
0x259: {  	[tilespmem:s23+$0x0] =	vst.add.f32.msk $0xffff, v1  }
0x25a: {  	v1 =	vld [tilespmem:s1+$0x10460];
	_ =	sdelay $0x4  }
0x25b: {  	[tilespmem:s24+$0x0] =	vst.add.f32.msk $0xffff, v1  }
0x25c: {  	v1 =	vld [tilespmem:s1+$0x10470];
	_ =	sdelay $0x2  }
0x25d: {  	s31 =	simm.s32 $0x200;
	s0 =	simm.s32 $0x100  }
0x25e: {  	s2 =	sand.u32 $0x3800, s31;
	s3 =	sand.u32 $0x380, s0;
	s1 =	simm.s32 $0x300  }
.LBB2_8:
0x25f: {  	p0 =	sne.s32 s1, $0x3F00;
	s2 =	sor.u32 s3, s2;
	[tilespmem:s25+$0x0] =	vst.add.f32.msk $0xffff, v1  }
0x260: {  	v1 =	vld [tilespmem:s2+$0x10000];
	_ =	sdelay $0x4  }
0x261: {  	[tilespmem:s4+$0x0] =	vst.add.f32.msk $0xffff, v1  }
0x262: {  	v1 =	vld [tilespmem:s2+$0x10010];
	_ =	sdelay $0x4  }
0x263: {  	[tilespmem:s5+$0x0] =	vst.add.f32.msk $0xffff, v1  }
0x264: {  	v1 =	vld [tilespmem:s2+$0x10020];
	_ =	sdelay $0x4  }
0x265: {  	[tilespmem:s6+$0x0] =	vst.add.f32.msk $0xffff, v1  }
0x266: {  	v1 =	vld [tilespmem:s2+$0x10030];
	_ =	sdelay $0x4  }
0x267: {  	[tilespmem:s7+$0x0] =	vst.add.f32.msk $0xffff, v1  }
0x268: {  	v1 =	vld [tilespmem:s2+$0x10040];
	_ =	sdelay $0x4  }
0x269: {  	[tilespmem:s14+$0x0] =	vst.add.f32.msk $0xffff, v1  }
0x26a: {  	v1 =	vld [tilespmem:s2+$0x10050];
	_ =	sdelay $0x4  }
0x26b: {  	[tilespmem:s15+$0x0] =	vst.add.f32.msk $0xffff, v1  }
0x26c: {  	v1 =	vld [tilespmem:s2+$0x10060];
	_ =	sdelay $0x4  }
0x26d: {  	[tilespmem:s16+$0x0] =	vst.add.f32.msk $0xffff, v1  }
0x26e: {  	v1 =	vld [tilespmem:s2+$0x10070];
	_ =	sdelay $0x4  }
0x26f: {  	[tilespmem:s17+$0x0] =	vst.add.f32.msk $0xffff, v1  }
0x270: {  	v1 =	vld [tilespmem:s2+$0x10400];
	_ =	sdelay $0x4  }
0x271: {  	[tilespmem:s18+$0x0] =	vst.add.f32.msk $0xffff, v1  }
0x272: {  	v1 =	vld [tilespmem:s2+$0x10410];
	_ =	sdelay $0x4  }
0x273: {  	[tilespmem:s19+$0x0] =	vst.add.f32.msk $0xffff, v1  }
0x274: {  	v1 =	vld [tilespmem:s2+$0x10420];
	_ =	sdelay $0x4  }
0x275: {  	[tilespmem:s20+$0x0] =	vst.add.f32.msk $0xffff, v1  }
0x276: {  	v1 =	vld [tilespmem:s2+$0x10430];
	_ =	sdelay $0x4  }
0x277: {  	[tilespmem:s21+$0x0] =	vst.add.f32.msk $0xffff, v1  }
0x278: {  	v1 =	vld [tilespmem:s2+$0x10440];
	_ =	sdelay $0x4  }
0x279: {  	[tilespmem:s22+$0x0] =	vst.add.f32.msk $0xffff, v1  }
0x27a: {  	v1 =	vld [tilespmem:s2+$0x10450];
	_ =	sdelay $0x4  }
0x27b: {  	[tilespmem:s23+$0x0] =	vst.add.f32.msk $0xffff, v1  }
0x27c: {  	v1 =	vld [tilespmem:s2+$0x10460];
	_ =	sdelay $0x4  }
0x27d: {  	[tilespmem:s24+$0x0] =	vst.add.f32.msk $0xffff, v1  }
.Ltmp3:
0x27e: {  	v1 =	vld [tilespmem:s2+$0x10470];
	(pc) =	sbr.rel @p0 .LBB2_8-.Ltmp3, $3  }
0x27f: {  	_ =	sdelay $0x1  }
0x280: {  	s0 =	sadd.s32 $0x80, s0  }
0x281: {  	s3 =	sand.u32 $0x380, s0;
	s2 =	sand.u32 $0x3800, s1;
	s1 =	sadd.s32 $0x100, s1  }
0x282: {  	s0 =	sor.u32 s3, s2;
	[tilespmem:s25+$0x0] =	vst.add.f32.msk $0xffff, v1  }
0x283: {  	v1 =	vld [tilespmem:s0+$0x10000];
	_ =	sdelay $0x4  }
0x284: {  	[tilespmem:s4+$0x0] =	vst.add.f32.msk $0xffff, v1  }
0x285: {  	v1 =	vld [tilespmem:s0+$0x10010];
	_ =	sdelay $0x4  }
0x286: {  	[tilespmem:s5+$0x0] =	vst.add.f32.msk $0xffff, v1  }
0x287: {  	v1 =	vld [tilespmem:s0+$0x10020];
	_ =	sdelay $0x4  }
0x288: {  	[tilespmem:s6+$0x0] =	vst.add.f32.msk $0xffff, v1  }
0x289: {  	v1 =	vld [tilespmem:s0+$0x10030];
	_ =	sdelay $0x4  }
0x28a: {  	[tilespmem:s7+$0x0] =	vst.add.f32.msk $0xffff, v1  }
0x28b: {  	v1 =	vld [tilespmem:s0+$0x10040];
	_ =	sdelay $0x4  }
0x28c: {  	[tilespmem:s14+$0x0] =	vst.add.f32.msk $0xffff, v1  }
0x28d: {  	v1 =	vld [tilespmem:s0+$0x10050];
	_ =	sdelay $0x4  }
0x28e: {  	[tilespmem:s15+$0x0] =	vst.add.f32.msk $0xffff, v1  }
0x28f: {  	v1 =	vld [tilespmem:s0+$0x10060];
	_ =	sdelay $0x4  }
0x290: {  	[tilespmem:s16+$0x0] =	vst.add.f32.msk $0xffff, v1  }
0x291: {  	v1 =	vld [tilespmem:s0+$0x10070];
	_ =	sdelay $0x4  }
0x292: {  	[tilespmem:s17+$0x0] =	vst.add.f32.msk $0xffff, v1  }
0x293: {  	v1 =	vld [tilespmem:s0+$0x10400];
	_ =	sdelay $0x4  }
0x294: {  	[tilespmem:s18+$0x0] =	vst.add.f32.msk $0xffff, v1  }
0x295: {  	v1 =	vld [tilespmem:s0+$0x10410];
	_ =	sdelay $0x4  }
0x296: {  	[tilespmem:s19+$0x0] =	vst.add.f32.msk $0xffff, v1  }
0x297: {  	v1 =	vld [tilespmem:s0+$0x10420];
	_ =	sdelay $0x4  }
0x298: {  	[tilespmem:s20+$0x0] =	vst.add.f32.msk $0xffff, v1  }
0x299: {  	v1 =	vld [tilespmem:s0+$0x10430];
	_ =	sdelay $0x4  }
0x29a: {  	[tilespmem:s21+$0x0] =	vst.add.f32.msk $0xffff, v1  }
0x29b: {  	v1 =	vld [tilespmem:s0+$0x10440];
	_ =	sdelay $0x4  }
0x29c: {  	[tilespmem:s22+$0x0] =	vst.add.f32.msk $0xffff, v1  }
0x29d: {  	v1 =	vld [tilespmem:s0+$0x10450];
	_ =	sdelay $0x4  }
0x29e: {  	[tilespmem:s23+$0x0] =	vst.add.f32.msk $0xffff, v1  }
0x29f: {  	v1 =	vld [tilespmem:s0+$0x10460];
	_ =	sdelay $0x4  }
0x2a0: {  	[tilespmem:s24+$0x0] =	vst.add.f32.msk $0xffff, v1  }
0x2a1: {  	v1 =	vld [tilespmem:s0+$0x10470];
	_ =	sdelay $0x4  }
0x2a2: {  	s8 =	simm.s32 $0x0;
	s29 =	rddreg [dreg:$0x5];
	[tilespmem:s25+$0x0] =	vst.add.f32.msk $0xffff, v1  }
0x2a3: {  	[hbm4b:s29+s8] =	stream.linear.scatter [tilespmem:s4], [sflag:$0x3], $0x80, $0x38;
	[tilespmem:$0x14000] =	vst v63  }
0x2a4: {  	s1 =	simm.s32 $0x3;
	s0 =	sadd.s32 $0x20, s29  }
0x2a5: {  	[hbm4b:s0+s8] =	stream.linear.scatter [tilespmem:s18], [sflag:$0x3], $0x80, $0x38;
	[tilespmem:$0x14000] =	vst v63  }
0x2a6: {  	_ =	swait.ge [sflag:s1], $0x100  }
0x2a7: {  	s30 =	rddreg [dreg:$0x7]  }
0x2a8: {  	s31 =	rddreg [dreg:$0x6];
	s2 =	sadd.s32 $0x1, s30  }
0x2a9: {  	p0 =	sne.s32 s2, s31  }
.Ltmp4:
0x2aa: {  	_ = 	snop;
	(pc) =	sbr.rel @p0 .LBB2_1-.Ltmp4, $3  }
0x2ab: {  	_ =	sdelay $0x1  }
0x2ac: {  	[sflag:s1] =	ssyncset.done $0x0  }
0x2ad: {  	[sflag:s1] =	ssyncadd.s32 $0xFFFFFF00  }
0x2ae: {  	_ =	sfence.sel $0x180000  }
0x2af: {  	[bflag:$0x0] =	sbarrier.arrive $0xFFFF  }
0x2b0: {  	_ =	strace $0x90000047  }
0x2b1: {  	s0 =	stileid.u32;
	[bflag:$0x2] =	sbarrier.arrive $0xFFFF  }
0x2b2: {  	p0 =	sne.s32 s0, $0x0;
	s0 =	rddreg [dreg:$0x2]  }
0x2b3: {  	s0 =	sadd.s32 @!p0 $0x100000, s0  }
0x2b4: {  	[sflag:s0] =	ssyncadd.tile.s32 @!p0 $0x1;
	_ =	shalt  }
.Lfunc_end2:
_tile_overlayer_lowered:
.L_overlay_start_2:
0x2b5: {  	(tag) =	ssettag $0x2  }
0x2b6: {  	s0 =	rddreg [dreg:$0x0];
	s2 =	stileid.u32  }
0x2b7: {  	s1 =	rddreg [dreg:$0x1];
	p0 =	sne.s32 s2, $0x0  }
0x2b8: {  	s3 =	rddreg [dreg:$0x2];
	[bflag:$0x3] =	sbarrier.arrive $0xFFFF;
	s2 =	simm.s32 @!p0 $0x1C03  }
0x2b9: {  	[timem:s3], [sflag:s2] =	dma.local @!p0 [hbm:s0], s1  }
0x2ba: {  	s0 =	simm.s32 @!p0 $0x3  }
0x2bb: {  	_ =	swait.ge @!p0 [sflag:s0], s1  }
0x2bc: {  	s1 =	ssub.s32 @!p0 $0x0, s1;
	[sflag:s0] =	ssyncset.done @!p0 $0x0  }
0x2bd: {  	[sflag:s0] =	ssyncadd.s32 @!p0 s1  }
0x2be: {  	[bflag:$0x3] =	sbarrier.arrive $0xFFFF  }
0x2bf: {  	_ =	shalt  }

</sc_bundles>
